<compile_context>
chip_gen: v7x
topology: tpu7x:2x2x1
jax: 0.10.2.dev20260603
libtpu: 0.0.44.dev20260713+nightly
codegen_flags: <defaults>
</compile_context>

<pallas_src>
import functools

import jax
import jax.numpy as jnp
from jax import lax
from jax.experimental import pallas as pl
from jax.experimental.pallas import tpu as pltpu
from jax.experimental.pallas import tpu_sc as plsc

N_TOK_TILE = 256
TOPK = 32
N_BISECT = 8
N_TRIM = 7
N_SC_TOKENS = 256



def _encode_body(x_ref, we_ref, be_ref, lnw_ref, lnb_ref, hm_ref):
    xb = x_ref[...]
    we = we_ref[...]
    enc = jax.lax.dot_general(
        xb, we, (((1,), (1,)), ((), ())),
        preferred_element_type=jnp.float32,
    )
    enc = enc + be_ref[...]
    mu = jnp.mean(enc, axis=1, keepdims=True)
    var = jnp.mean((enc - mu) ** 2, axis=1, keepdims=True)
    hn = (enc - mu) * jax.lax.rsqrt(var + 1e-5) * lnw_ref[...] + lnb_ref[...]

    neg_inf = jnp.float32(-jnp.inf)
    t_rows = hn.shape[0]
    seg = hn.reshape(t_rows, TOPK, hn.shape[1] // TOPK)
    segmax = jnp.max(seg, axis=2)
    lo = jnp.min(segmax, axis=1, keepdims=True)
    hi = jnp.max(segmax, axis=1, keepdims=True)
    c_hi = jnp.full((t_rows, 1), 1, jnp.int32)

    def bisect(_, carry):
        lo, hi, c_hi = carry
        mid = 0.5 * (lo + hi)
        c = jnp.sum((hn >= mid).astype(jnp.int32), axis=1, keepdims=True)
        ge = c >= TOPK
        return (jnp.where(ge, mid, lo),
                jnp.where(ge, hi, mid), jnp.where(ge, c_hi, c))

    lo, hi, c_hi = jax.lax.fori_loop(0, N_BISECT, bisect, (lo, hi, c_hi))
    need = TOPK - c_hi

    def peel(j, m):
        m_next = jnp.max(jnp.where(hn < m, hn, neg_inf), axis=1,
                         keepdims=True)
        return jnp.where(j < need, m_next, m)

    thresh = jax.lax.fori_loop(0, N_TRIM, peel, hi)
    hm_ref[...] = jnp.where(hn >= thresh, hn, jnp.float32(0.0))


def _tc_encode(xf, W_enc, b_enc, ln_w, ln_b):
    n, d = xf.shape
    oc = W_enc.shape[0]
    grid = (n // N_TOK_TILE,)
    return pl.pallas_call(
        _encode_body,
        grid=grid,
        in_specs=[
            pl.BlockSpec((N_TOK_TILE, d), lambda i: (i, 0)),
            pl.BlockSpec((oc, d), lambda i: (0, 0)),
            pl.BlockSpec((1, oc), lambda i: (0, 0)),
            pl.BlockSpec((1, oc), lambda i: (0, 0)),
            pl.BlockSpec((1, oc), lambda i: (0, 0)),
        ],
        out_specs=pl.BlockSpec((N_TOK_TILE, oc), lambda i: (i, 0)),
        out_shape=jax.ShapeDtypeStruct((n, oc), jnp.float32),
    )(xf, W_enc, b_enc.reshape(1, oc), ln_w.reshape(1, oc),
      ln_b.reshape(1, oc))


def _take16(arr, idxvec):
    dnums = lax.GatherDimensionNumbers(
        offset_dims=(), collapsed_slice_dims=(0,), start_index_map=(0,))
    return lax.gather(arr, idxvec[:, None], dnums, (1,),
                      mode=lax.GatherScatterMode.PROMISE_IN_BOUNDS)


def _decode_body(hm_ref, wd_ref, out_ref):
    out_ref[...] = jax.lax.dot_general(
        hm_ref[...], wd_ref[...], (((1,), (1,)), ((), ())),
        preferred_element_type=jnp.float32,
    )


def _tc_decode(hm, W_dec, tok_start):
    n_all, oc = hm.shape
    d = W_dec.shape[0]
    n = n_all - tok_start
    grid = (n // N_TOK_TILE,)
    off = tok_start // N_TOK_TILE
    return pl.pallas_call(
        _decode_body,
        grid=grid,
        in_specs=[
            pl.BlockSpec((N_TOK_TILE, oc), lambda i: (i + off, 0)),
            pl.BlockSpec((d, oc), lambda i: (0, 0)),
        ],
        out_specs=pl.BlockSpec((N_TOK_TILE, d), lambda i: (i, 0)),
        out_shape=jax.ShapeDtypeStruct((n, d), jnp.float32),
    )(hm, W_dec)


def _make_sc_decode(n_sc, oc, d):
    info = plsc.get_sparse_core_info()
    nw = info.num_cores * info.num_subcores
    tok_per_w = n_sc // nw
    n_chunks = oc // 16
    d_chunks = d // 16
    mesh = plsc.VectorSubcoreMesh(core_axis_name="c", subcore_axis_name="s")

    @functools.partial(
        pl.kernel, mesh=mesh,
        out_type=jax.ShapeDtypeStruct((n_sc, d), jnp.float32),
        compiler_params=pltpu.CompilerParams(needs_layout_passes=False),
        scratch_types=[
            pltpu.VMEM((oc,), jnp.float32),
            pltpu.VMEM((64,), jnp.int32),
            pltpu.VMEM((80,), jnp.float32),
            pltpu.VMEM((TOPK,), jnp.int32),
            pltpu.VMEM((TOPK, d), jnp.float32),
            pltpu.VMEM((d,), jnp.float32),
            pltpu.SemaphoreType.DMA,
        ],
    )
    def sc_decode(hm_hbm, wd_hbm, out_hbm, row_v, idx_v, val_v, idx32_v,
                  rows_v, out_v, sem):
        wid = lax.axis_index("s") * info.num_cores + lax.axis_index("c")
        base_tok = wid * tok_per_w
        zeros16f = jnp.zeros((16,), jnp.float32)
        zeros16i = jnp.zeros((16,), jnp.int32)
        iota16 = lax.iota(jnp.int32, 16)

        def one_token(t, _):
            tok = base_tok + t
            pltpu.sync_copy(hm_hbm.at[tok], row_v)

            for w in range(3):
                idx_v[pl.ds(w * 16, 16)] = zeros16i
            for w in range(5):
                val_v[pl.ds(w * 16, 16)] = zeros16f

            lane15 = jnp.full((16,), 15, jnp.int32)

            def scan_chunk(c, cnt_vec):
                v = row_v[pl.ds(c * 16, 16)]
                mask = v != 0.0
                off_vec = jnp.minimum(cnt_vec, TOPK)
                pos = plsc.cumsum(mask.astype(jnp.int32)) + off_vec - 1
                plsc.store_scatter(idx_v, [pos], iota16 + c * 16, mask=mask)
                plsc.store_scatter(val_v, [pos + 16], v, mask=mask)
                return _take16(pos, lane15) + 1

            lax.fori_loop(0, n_chunks, scan_chunk, zeros16i)

            idx32_v[pl.ds(0, 16)] = idx_v[pl.ds(0, 16)]
            idx32_v[pl.ds(16, 16)] = idx_v[pl.ds(16, 16)]
            pltpu.async_copy(wd_hbm.at[idx32_v], rows_v, sem).wait()

            def fma_chunk(c, _):
                bd = c * 16
                acc = zeros16f
                for j in range(16):
                    sj = jnp.full((16,), j + 16, jnp.int32)
                    acc = acc + plsc.load_gather(val_v, [sj]) * \
                        rows_v[j, pl.ds(bd, 16)]
                    acc = acc + plsc.load_gather(val_v, [sj + 16]) * \
                        rows_v[j + 16, pl.ds(bd, 16)]
                out_v[pl.ds(bd, 16)] = acc
                return 0

            lax.fori_loop(0, d_chunks, fma_chunk, 0)
            pltpu.sync_copy(out_v, out_hbm.at[tok])
            return 0

        lax.fori_loop(0, tok_per_w, one_token, 0)

    return sc_decode


@functools.partial(jax.jit, static_argnames=())
def kernel(x, W_enc, b_enc, ln_w, ln_b, W_dec):
    b, s, d = x.shape
    n = b * s
    oc = W_enc.shape[0]
    xf = x.reshape(n, d)
    wd = jnp.transpose(W_dec)
    hm = _tc_encode(xf, W_enc, b_enc, ln_w, ln_b)
    dec_sc = _make_sc_decode(N_SC_TOKENS, oc, d)(hm, wd)
    dec_tc = _tc_decode(hm, W_dec, N_SC_TOKENS)
    dec = jnp.concatenate([dec_sc, dec_tc], axis=0)
    return dec.reshape(b, s, d)

# --- scband reference (transcript-rebuilt; emitter-appended) ---
"""Pipeline reference for scband-ksparse-layer-55413668053287 (READ-ONLY COPY).

The authoritative reference and input builder live on the scoring server;
editing this copy changes nothing except your own understanding.
"""

import jax, jax.numpy as jnp
import numpy as np

N_EMBD = 1024
OC = 4 * N_EMBD
K = int(N_EMBD * 0.03125)
B, S = 2, 2048


def layer_norm(x, w, b, eps=1e-5):
    mu = jnp.mean(x, axis=-1, keepdims=True)
    var = jnp.mean((x - mu) ** 2, axis=-1, keepdims=True)
    return (x - mu) / jnp.sqrt(var + eps) * w + b


def setup_inputs(seed: int = 0) -> dict:
    key = jax.random.key(seed)
    k1, k2, k3 = jax.random.split(key, 3)
    x = jax.random.normal(k1, (B, S, N_EMBD), dtype=jnp.float32)
    W_enc = jax.random.normal(k2, (OC, N_EMBD), dtype=jnp.float32) * 0.02
    b_enc = jnp.zeros((OC,), dtype=jnp.float32)
    ln_w = jnp.ones((OC,), dtype=jnp.float32)
    ln_b = jnp.zeros((OC,), dtype=jnp.float32)
    W_dec = jax.random.normal(k3, (N_EMBD, OC), dtype=jnp.float32) * 0.02
    return {"x": x, "W_enc": W_enc, "b_enc": b_enc, "ln_w": ln_w, "ln_b": ln_b, "W_dec": W_dec}


def reference(x, W_enc, b_enc, ln_w, ln_b, W_dec):
    b, s, _ = x.shape
    # to_overcomplete + LayerNorm (eval mode: no noise)
    h = layer_norm(jnp.einsum('bsd,od->bso', x, W_enc) + b_enc, ln_w, ln_b)
    # per-position top-k over overcomplete dim
    values, indices = jax.lax.top_k(h, K)  # [B, S, K]
    # per-batch weighted bincount (torch.bincount with weights, minlength=OC)
    def bc(idx, val):
        return jnp.zeros((OC,), val.dtype).at[idx.reshape(-1)].add(val.reshape(-1))
    summed_values = jax.vmap(bc)(indices, values)  # [B, OC]
    topk_summed_values, topk_summed_indices = jax.lax.top_k(summed_values, K)
    # embedding_bag(mode='sum') decode with per_sample_weights
    idx_f = indices.reshape(b * s, K)
    val_f = values.reshape(b * s, K)
    Wd = W_dec.T  # [OC, N_EMBD]
    gathered = jnp.take(Wd, idx_f, axis=0)  # [B*S, K, N_EMBD]
    decoded = jnp.einsum('nk,nkd->nd', val_f, gathered).reshape(b, s, -1)
    return decoded

if __name__ == "__main__":
    import jax
    _d = setup_inputs()
    print(jax.jit(kernel)(*tuple(_d.values())))

</pallas_src>

<mosaic_0001>
#map = affine_map<(d0, d1) -> (0, 0)>
module attributes {stable_mosaic.version = 14 : i64} {
  func.func @sc_decode(%arg0: i32, %arg1: i32, %arg2: memref<4096x4096xf32, #tpu.memory_space<hbm>>, %arg3: memref<4096x1024xf32, #tpu.memory_space<hbm>>, %arg4: memref<256x1024xf32, #tpu.memory_space<hbm>>, %arg5: memref<4096xf32, #tpu.memory_space<vmem>>, %arg6: memref<64xi32, #tpu.memory_space<vmem>>, %arg7: memref<80xf32, #tpu.memory_space<vmem>>, %arg8: memref<32xi32, #tpu.memory_space<vmem>>, %arg9: memref<32x1024xf32, #tpu.memory_space<vmem>>, %arg10: memref<1024xf32, #tpu.memory_space<vmem>>, %arg11: memref<!tpu.dma_semaphore, #tpu.memory_space<semaphore_mem>>) attributes {dimension_semantics = [#tpu.dimension_semantics<core_parallel>, #tpu.dimension_semantics<subcore_parallel>], iteration_bounds = array<i64: 2, 16>, scalar_prefetch = 0 : i64, scratch_operands = 7 : i64, tpu.core_type = #tpu.core_type<sc_vector_subcore>, window_params = [{transform_indices = #map}, {transform_indices = #map}, {transform_indices = #map}]} {
    %mul3A = arith.constant 2 : i32
    %mul3A_0 = arith.muli %arg1, %mul3A : i32
    %add3A = arith.addi %mul3A_0, %arg0 : i32
    %mul3A_1 = arith.constant 8 : i32
    %mul3A_2 = arith.muli %add3A, %mul3A_1 : i32
    %broadcast_in_dim3A = arith.constant 0.000000e+00 : f32
    %broadcast_in_dim3A_3 = vector.broadcast %broadcast_in_dim3A : f32 to vector<16xf32>
    %broadcast_in_dim3A_4 = arith.constant 0 : i32
    %broadcast_in_dim3A_5 = vector.broadcast %broadcast_in_dim3A_4 : i32 to vector<16xi32>
    %iota3A = tpu.iota {dimensions = array<i32: 0>} : vector<16xi32>
    %scan3A = arith.constant 0 : i32
    %scan3A_6 = arith.constant 0 : i32
    %scan3A_7 = arith.constant 8 : i32
    %scan3A_8 = arith.addi %scan3A_6, %scan3A_7 : i32
    %scan3A_9 = arith.constant 1 : i32
    %scan3A_10 = scf.for %scan3A_12 = %scan3A_6 to %scan3A_8 step %scan3A_9 iter_args(%scan3A_13 = %scan3A) -> (i32)  : i32 {
      %add3A_14 = arith.addi %mul3A_2, %scan3A_12 : i32
      "tpu.region"() ({
        %run_scoped3A = tpu.sem_alloc : memref<!tpu.dma_semaphore, #tpu.memory_space<semaphore_mem>>
        %dma_start3A_57 = arith.constant 0 : i32
        %dma_start3A_58 = tpu.memref_slice %arg2[%add3A_14, %dma_start3A_57] : memref<4096x4096xf32, #tpu.memory_space<hbm>> -> memref<1x4096xf32, #tpu.memory_space<hbm>>
        %dma_start3A_59 = tpu.memref_squeeze %dma_start3A_58 : memref<1x4096xf32, #tpu.memory_space<hbm>> -> memref<4096xf32, #tpu.memory_space<hbm>>
        %dma_start3A_60 = arith.constant 0 : i32
        %dma_start3A_61 = tpu.memref_slice %arg2[%add3A_14, %dma_start3A_60] : memref<4096x4096xf32, #tpu.memory_space<hbm>> -> memref<1x4096xf32, #tpu.memory_space<hbm>>
        %dma_start3A_62 = tpu.memref_squeeze %dma_start3A_61 : memref<1x4096xf32, #tpu.memory_space<hbm>> -> memref<4096xf32, #tpu.memory_space<hbm>>
        tpu.enqueue_dma source(%dma_start3A_62 : memref<4096xf32, #tpu.memory_space<hbm>>) target(%arg5 : memref<4096xf32, #tpu.memory_space<vmem>>) target_semaphore(%run_scoped3A : memref<!tpu.dma_semaphore, #tpu.memory_space<semaphore_mem>>)
        %dma_wait3A_63 = arith.constant 0 : i32
        %dma_wait3A_64 = tpu.memref_slice %arg2[%add3A_14, %dma_wait3A_63] : memref<4096x4096xf32, #tpu.memory_space<hbm>> -> memref<1x4096xf32, #tpu.memory_space<hbm>>
        %dma_wait3A_65 = tpu.memref_squeeze %dma_wait3A_64 : memref<1x4096xf32, #tpu.memory_space<hbm>> -> memref<4096xf32, #tpu.memory_space<hbm>>
        %dma_wait3A_66 = arith.constant 0 : i32
        %dma_wait3A_67 = tpu.memref_slice %arg2[%add3A_14, %dma_wait3A_66] : memref<4096x4096xf32, #tpu.memory_space<hbm>> -> memref<1x4096xf32, #tpu.memory_space<hbm>>
        %dma_wait3A_68 = tpu.memref_squeeze %dma_wait3A_67 : memref<1x4096xf32, #tpu.memory_space<hbm>> -> memref<4096xf32, #tpu.memory_space<hbm>>
        tpu.wait_dma2 semaphore(%run_scoped3A : memref<!tpu.dma_semaphore, #tpu.memory_space<semaphore_mem>>) src(%dma_wait3A_68 : memref<4096xf32, #tpu.memory_space<hbm>>) dst(%arg5 : memref<4096xf32, #tpu.memory_space<vmem>>)
        tpu.yield
      }) : () -> ()
      %swap3A = arith.constant 0 : index
      %swap3A_15 = tpu.vector_load %arg6[%swap3A] {strides = array<i32>} : memref<64xi32, #tpu.memory_space<vmem>>, vector<16xi32>,
      tpu.vector_store %arg6[%swap3A], %broadcast_in_dim3A_5 {strides = array<i32>} : memref<64xi32, #tpu.memory_space<vmem>>, vector<16xi32>,
      %swap3A_16 = arith.constant 16 : index
      %swap3A_17 = tpu.vector_load %arg6[%swap3A_16] {strides = array<i32>} : memref<64xi32, #tpu.memory_space<vmem>>, vector<16xi32>,
      tpu.vector_store %arg6[%swap3A_16], %broadcast_in_dim3A_5 {strides = array<i32>} : memref<64xi32, #tpu.memory_space<vmem>>, vector<16xi32>,
      %swap3A_18 = arith.constant 32 : index
      %swap3A_19 = tpu.vector_load %arg6[%swap3A_18] {strides = array<i32>} : memref<64xi32, #tpu.memory_space<vmem>>, vector<16xi32>,
      tpu.vector_store %arg6[%swap3A_18], %broadcast_in_dim3A_5 {strides = array<i32>} : memref<64xi32, #tpu.memory_space<vmem>>, vector<16xi32>,
      %swap3A_20 = arith.constant 0 : index
      %swap3A_21 = tpu.vector_load %arg7[%swap3A_20] {strides = array<i32>} : memref<80xf32, #tpu.memory_space<vmem>>, vector<16xf32>,
      tpu.vector_store %arg7[%swap3A_20], %broadcast_in_dim3A_3 {strides = array<i32>} : memref<80xf32, #tpu.memory_space<vmem>>, vector<16xf32>,
      %swap3A_22 = arith.constant 16 : index
      %swap3A_23 = tpu.vector_load %arg7[%swap3A_22] {strides = array<i32>} : memref<80xf32, #tpu.memory_space<vmem>>, vector<16xf32>,
      tpu.vector_store %arg7[%swap3A_22], %broadcast_in_dim3A_3 {strides = array<i32>} : memref<80xf32, #tpu.memory_space<vmem>>, vector<16xf32>,
      %swap3A_24 = arith.constant 32 : index
      %swap3A_25 = tpu.vector_load %arg7[%swap3A_24] {strides = array<i32>} : memref<80xf32, #tpu.memory_space<vmem>>, vector<16xf32>,
      tpu.vector_store %arg7[%swap3A_24], %broadcast_in_dim3A_3 {strides = array<i32>} : memref<80xf32, #tpu.memory_space<vmem>>, vector<16xf32>,
      %swap3A_26 = arith.constant 48 : index
      %swap3A_27 = tpu.vector_load %arg7[%swap3A_26] {strides = array<i32>} : memref<80xf32, #tpu.memory_space<vmem>>, vector<16xf32>,
      tpu.vector_store %arg7[%swap3A_26], %broadcast_in_dim3A_3 {strides = array<i32>} : memref<80xf32, #tpu.memory_space<vmem>>, vector<16xf32>,
      %swap3A_28 = arith.constant 64 : index
      %swap3A_29 = tpu.vector_load %arg7[%swap3A_28] {strides = array<i32>} : memref<80xf32, #tpu.memory_space<vmem>>, vector<16xf32>,
      tpu.vector_store %arg7[%swap3A_28], %broadcast_in_dim3A_3 {strides = array<i32>} : memref<80xf32, #tpu.memory_space<vmem>>, vector<16xf32>,
      %broadcast_in_dim3A_30 = arith.constant 15 : i32
      %broadcast_in_dim3A_31 = vector.broadcast %broadcast_in_dim3A_30 : i32 to vector<16xi32>
      %scan3A_32 = arith.constant 0 : i32
      %scan3A_33 = arith.constant 256 : i32
      %scan3A_34 = arith.addi %scan3A_32, %scan3A_33 : i32
      %scan3A_35 = arith.constant 1 : i32
      %scan3A_36 = scf.for %scan3A_57 = %scan3A_32 to %scan3A_34 step %scan3A_35 iter_args(%scan3A_58 = %broadcast_in_dim3A_5) -> (vector<16xi32>)  : i32 {
        %mul3A_59 = arith.constant 16 : i32
        %mul3A_60 = arith.muli %scan3A_57, %mul3A_59 : i32
        %get3A_61 = arith.index_cast %mul3A_60 : i32 to index
        %get3A_62 = tpu.vector_load %arg5[%get3A_61] {strides = array<i32>} : memref<4096xf32, #tpu.memory_space<vmem>>, vector<16xf32>,
        %ne3A = arith.constant 0.000000e+00 : f32
        %ne3A_63 = vector.broadcast %ne3A : f32 to vector<16xf32>
        %ne3A_64 = arith.cmpf one, %get3A_62, %ne3A_63 : vector<16xf32>
        %min3A = arith.constant 32 : i32
        %min3A_65 = vector.broadcast %min3A : i32 to vector<16xi32>
        %min3A_66 = arith.minsi %scan3A_58, %min3A_65 : vector<16xi32>
        %convert_element_type3A = arith.extui %ne3A_64 : vector<16xi1> to vector<16xi32>
        %broadcast_in_dim3A_67 = arith.constant true
        %broadcast_in_dim3A_68 = vector.broadcast %broadcast_in_dim3A_67 : i1 to vector<16xi1>
        %masked_cumsum3A = tpu.scan <sum>, %convert_element_type3A masked %broadcast_in_dim3A_68 : vector<16xi32>, vector<16xi1> -> vector<16xi32>
        %add3A_69 = arith.addi %masked_cumsum3A, %min3A_66 : vector<16xi32>
        %sub3A = arith.constant 1 : i32
        %sub3A_70 = vector.broadcast %sub3A : i32 to vector<16xi32>
        %sub3A_71 = arith.subi %add3A_69, %sub3A_70 : vector<16xi32>
        %mul3A_72 = arith.constant 16 : i32
        %mul3A_73 = arith.muli %scan3A_57, %mul3A_72 : i32
        %add3A_74 = vector.broadcast %mul3A_73 : i32 to vector<16xi32>
        %add3A_75 = arith.addi %iota3A, %add3A_74 : vector<16xi32>
        tpu.vector_store_idx %arg6[%sub3A_71], %add3A_75 masked %ne3A_64 : memref<64xi32, #tpu.memory_space<vmem>>[vector<16xi32>], vector<16xi32>, vector<16xi1>
        %add3A_76 = arith.constant 16 : i32
        %add3A_77 = vector.broadcast %add3A_76 : i32 to vector<16xi32>
        %add3A_78 = arith.addi %sub3A_71, %add3A_77 : vector<16xi32>
        tpu.vector_store_idx %arg7[%add3A_78], %get3A_62 masked %ne3A_64 : memref<80xf32, #tpu.memory_space<vmem>>[vector<16xi32>], vector<16xf32>, vector<16xi1>
        %broadcast_in_dim3A_79 = vector.shape_cast %broadcast_in_dim3A_31 : vector<16xi32> to vector<16x1xi32>
        %gather3A = vector.shape_cast %broadcast_in_dim3A_79 : vector<16x1xi32> to vector<16xi32>
        %gather3A_80 = tpu.dynamic_gather %sub3A_71[%gather3A] in [0] : vector<16xi32>, vector<16xi32> -> vector<16xi32>
        %add3A_81 = arith.constant 1 : i32
        %add3A_82 = vector.broadcast %add3A_81 : i32 to vector<16xi32>
        %add3A_83 = arith.addi %gather3A_80, %add3A_82 : vector<16xi32>
        scf.yield %add3A_83 : vector<16xi32>
      }
      %scan3A_37 = arith.constant 256 : i32
      %get3A = arith.constant 0 : index
      %get3A_38 = tpu.vector_load %arg6[%get3A] {strides = array<i32>} : memref<64xi32, #tpu.memory_space<vmem>>, vector<16xi32>,
      %swap3A_39 = arith.constant 0 : index
      %swap3A_40 = tpu.vector_load %arg8[%swap3A_39] {strides = array<i32>} : memref<32xi32, #tpu.memory_space<vmem>>, vector<16xi32>,
      tpu.vector_store %arg8[%swap3A_39], %get3A_38 {strides = array<i32>} : memref<32xi32, #tpu.memory_space<vmem>>, vector<16xi32>,
      %get3A_41 = arith.constant 16 : index
      %get3A_42 = tpu.vector_load %arg6[%get3A_41] {strides = array<i32>} : memref<64xi32, #tpu.memory_space<vmem>>, vector<16xi32>,
      %swap3A_43 = arith.constant 16 : index
      %swap3A_44 = tpu.vector_load %arg8[%swap3A_43] {strides = array<i32>} : memref<32xi32, #tpu.memory_space<vmem>>, vector<16xi32>,
      tpu.vector_store %arg8[%swap3A_43], %get3A_42 {strides = array<i32>} : memref<32xi32, #tpu.memory_space<vmem>>, vector<16xi32>,
      %dma_start3A = arith.constant 0 : i32
      %dma_start3A_45 = arith.constant 0 : i32
      %dma_start3A_46 = tpu.memref_slice %arg3[%dma_start3A, %dma_start3A_45] : memref<4096x1024xf32, #tpu.memory_space<hbm>> -> memref<4096x1024xf32, #tpu.memory_space<hbm>>
      tpu.enqueue_indirect_dma source(%dma_start3A_46 : memref<4096x1024xf32, #tpu.memory_space<hbm>>) target(%arg9 : memref<32x1024xf32, #tpu.memory_space<vmem>>) offsets(%arg8 : memref<32xi32, #tpu.memory_space<vmem>>) semaphore(%arg11 : memref<!tpu.dma_semaphore, #tpu.memory_space<semaphore_mem>>)
      %dma_wait3A = arith.constant 0 : i32
      %dma_wait3A_47 = arith.constant 0 : i32
      %dma_wait3A_48 = tpu.memref_slice %arg3[%dma_wait3A, %dma_wait3A_47] : memref<4096x1024xf32, #tpu.memory_space<hbm>> -> memref<4096x1024xf32, #tpu.memory_space<hbm>>
      tpu.wait_indirect_dma semaphore(%arg11 : memref<!tpu.dma_semaphore, #tpu.memory_space<semaphore_mem>>) src(%dma_wait3A_48 : memref<4096x1024xf32, #tpu.memory_space<hbm>>) dst(%arg9 : memref<32x1024xf32, #tpu.memory_space<vmem>>)
      %scan3A_49 = arith.constant 0 : i32
      %scan3A_50 = arith.constant 0 : i32
      %scan3A_51 = arith.constant 64 : i32
      %scan3A_52 = arith.addi %scan3A_50, %scan3A_51 : i32
      %scan3A_53 = arith.constant 1 : i32
      %scan3A_54 = scf.for %scan3A_57 = %scan3A_50 to %scan3A_52 step %scan3A_53 iter_args(%scan3A_58 = %scan3A_49) -> (i32)  : i32 {
        %mul3A_59 = arith.constant 16 : i32
        %mul3A_60 = arith.muli %scan3A_57, %mul3A_59 : i32
        %broadcast_in_dim3A_61 = arith.constant 16 : i32
        %broadcast_in_dim3A_62 = vector.broadcast %broadcast_in_dim3A_61 : i32 to vector<16xi32>
        %gather3A = tpu.vector_load_idx %arg7[%broadcast_in_dim3A_62] : memref<80xf32, #tpu.memory_space<vmem>>[vector<16xi32>], vector<16xf32>,
        %get3A_63 = arith.constant 0 : i32
        %get3A_64 = arith.index_cast %get3A_63 : i32 to index
        %get3A_65 = arith.index_cast %mul3A_60 : i32 to index
        %get3A_66 = tpu.vector_load %arg9[%get3A_64, %get3A_65] {strides = array<i32>} : memref<32x1024xf32, #tpu.memory_space<vmem>>, vector<16xf32>,
        %mul3A_67 = arith.mulf %gather3A, %get3A_66 : vector<16xf32>
        %add3A_68 = arith.addf %broadcast_in_dim3A_3, %mul3A_67 : vector<16xf32>
        %add3A_69 = arith.constant 16 : i32
        %add3A_70 = vector.broadcast %add3A_69 : i32 to vector<16xi32>
        %add3A_71 = arith.addi %broadcast_in_dim3A_62, %add3A_70 : vector<16xi32>
        %gather3A_72 = tpu.vector_load_idx %arg7[%add3A_71] : memref<80xf32, #tpu.memory_space<vmem>>[vector<16xi32>], vector<16xf32>,
        %get3A_73 = arith.constant 16 : i32
        %get3A_74 = arith.index_cast %get3A_73 : i32 to index
        %get3A_75 = arith.index_cast %mul3A_60 : i32 to index
        %get3A_76 = tpu.vector_load %arg9[%get3A_74, %get3A_75] {strides = array<i32>} : memref<32x1024xf32, #tpu.memory_space<vmem>>, vector<16xf32>,
        %mul3A_77 = arith.mulf %gather3A_72, %get3A_76 : vector<16xf32>
        %add3A_78 = arith.addf %add3A_68, %mul3A_77 : vector<16xf32>
        %broadcast_in_dim3A_79 = arith.constant 17 : i32
        %broadcast_in_dim3A_80 = vector.broadcast %broadcast_in_dim3A_79 : i32 to vector<16xi32>
        %gather3A_81 = tpu.vector_load_idx %arg7[%broadcast_in_dim3A_80] : memref<80xf32, #tpu.memory_space<vmem>>[vector<16xi32>], vector<16xf32>,
        %get3A_82 = arith.constant 1 : i32
        %get3A_83 = arith.index_cast %get3A_82 : i32 to index
        %get3A_84 = arith.index_cast %mul3A_60 : i32 to index
        %get3A_85 = tpu.vector_load %arg9[%get3A_83, %get3A_84] {strides = array<i32>} : memref<32x1024xf32, #tpu.memory_space<vmem>>, vector<16xf32>,
        %mul3A_86 = arith.mulf %gather3A_81, %get3A_85 : vector<16xf32>
        %add3A_87 = arith.addf %add3A_78, %mul3A_86 : vector<16xf32>
        %add3A_88 = arith.constant 16 : i32
        %add3A_89 = vector.broadcast %add3A_88 : i32 to vector<16xi32>
        %add3A_90 = arith.addi %broadcast_in_dim3A_80, %add3A_89 : vector<16xi32>
        %gather3A_91 = tpu.vector_load_idx %arg7[%add3A_90] : memref<80xf32, #tpu.memory_space<vmem>>[vector<16xi32>], vector<16xf32>,
        %get3A_92 = arith.constant 17 : i32
        %get3A_93 = arith.index_cast %get3A_92 : i32 to index
        %get3A_94 = arith.index_cast %mul3A_60 : i32 to index
        %get3A_95 = tpu.vector_load %arg9[%get3A_93, %get3A_94] {strides = array<i32>} : memref<32x1024xf32, #tpu.memory_space<vmem>>, vector<16xf32>,
        %mul3A_96 = arith.mulf %gather3A_91, %get3A_95 : vector<16xf32>
        %add3A_97 = arith.addf %add3A_87, %mul3A_96 : vector<16xf32>
        %broadcast_in_dim3A_98 = arith.constant 18 : i32
        %broadcast_in_dim3A_99 = vector.broadcast %broadcast_in_dim3A_98 : i32 to vector<16xi32>
        %gather3A_100 = tpu.vector_load_idx %arg7[%broadcast_in_dim3A_99] : memref<80xf32, #tpu.memory_space<vmem>>[vector<16xi32>], vector<16xf32>,
        %get3A_101 = arith.constant 2 : i32
        %get3A_102 = arith.index_cast %get3A_101 : i32 to index
        %get3A_103 = arith.index_cast %mul3A_60 : i32 to index
        %get3A_104 = tpu.vector_load %arg9[%get3A_102, %get3A_103] {strides = array<i32>} : memref<32x1024xf32, #tpu.memory_space<vmem>>, vector<16xf32>,
        %mul3A_105 = arith.mulf %gather3A_100, %get3A_104 : vector<16xf32>
        %add3A_106 = arith.addf %add3A_97, %mul3A_105 : vector<16xf32>
        %add3A_107 = arith.constant 16 : i32
        %add3A_108 = vector.broadcast %add3A_107 : i32 to vector<16xi32>
        %add3A_109 = arith.addi %broadcast_in_dim3A_99, %add3A_108 : vector<16xi32>
        %gather3A_110 = tpu.vector_load_idx %arg7[%add3A_109] : memref<80xf32, #tpu.memory_space<vmem>>[vector<16xi32>], vector<16xf32>,
        %get3A_111 = arith.constant 18 : i32
        %get3A_112 = arith.index_cast %get3A_111 : i32 to index
        %get3A_113 = arith.index_cast %mul3A_60 : i32 to index
        %get3A_114 = tpu.vector_load %arg9[%get3A_112, %get3A_113] {strides = array<i32>} : memref<32x1024xf32, #tpu.memory_space<vmem>>, vector<16xf32>,
        %mul3A_115 = arith.mulf %gather3A_110, %get3A_114 : vector<16xf32>
        %add3A_116 = arith.addf %add3A_106, %mul3A_115 : vector<16xf32>
        %broadcast_in_dim3A_117 = arith.constant 19 : i32
        %broadcast_in_dim3A_118 = vector.broadcast %broadcast_in_dim3A_117 : i32 to vector<16xi32>
        %gather3A_119 = tpu.vector_load_idx %arg7[%broadcast_in_dim3A_118] : memref<80xf32, #tpu.memory_space<vmem>>[vector<16xi32>], vector<16xf32>,
        %get3A_120 = arith.constant 3 : i32
        %get3A_121 = arith.index_cast %get3A_120 : i32 to index
        %get3A_122 = arith.index_cast %mul3A_60 : i32 to index
        %get3A_123 = tpu.vector_load %arg9[%get3A_121, %get3A_122] {strides = array<i32>} : memref<32x1024xf32, #tpu.memory_space<vmem>>, vector<16xf32>,
        %mul3A_124 = arith.mulf %gather3A_119, %get3A_123 : vector<16xf32>
        %add3A_125 = arith.addf %add3A_116, %mul3A_124 : vector<16xf32>
        %add3A_126 = arith.constant 16 : i32
        %add3A_127 = vector.broadcast %add3A_126 : i32 to vector<16xi32>
        %add3A_128 = arith.addi %broadcast_in_dim3A_118, %add3A_127 : vector<16xi32>
        %gather3A_129 = tpu.vector_load_idx %arg7[%add3A_128] : memref<80xf32, #tpu.memory_space<vmem>>[vector<16xi32>], vector<16xf32>,
        %get3A_130 = arith.constant 19 : i32
        %get3A_131 = arith.index_cast %get3A_130 : i32 to index
        %get3A_132 = arith.index_cast %mul3A_60 : i32 to index
        %get3A_133 = tpu.vector_load %arg9[%get3A_131, %get3A_132] {strides = array<i32>} : memref<32x1024xf32, #tpu.memory_space<vmem>>, vector<16xf32>,
        %mul3A_134 = arith.mulf %gather3A_129, %get3A_133 : vector<16xf32>
        %add3A_135 = arith.addf %add3A_125, %mul3A_134 : vector<16xf32>
        %broadcast_in_dim3A_136 = arith.constant 20 : i32
        %broadcast_in_dim3A_137 = vector.broadcast %broadcast_in_dim3A_136 : i32 to vector<16xi32>
        %gather3A_138 = tpu.vector_load_idx %arg7[%broadcast_in_dim3A_137] : memref<80xf32, #tpu.memory_space<vmem>>[vector<16xi32>], vector<16xf32>,
        %get3A_139 = arith.constant 4 : i32
        %get3A_140 = arith.index_cast %get3A_139 : i32 to index
        %get3A_141 = arith.index_cast %mul3A_60 : i32 to index
        %get3A_142 = tpu.vector_load %arg9[%get3A_140, %get3A_141] {strides = array<i32>} : memref<32x1024xf32, #tpu.memory_space<vmem>>, vector<16xf32>,
        %mul3A_143 = arith.mulf %gather3A_138, %get3A_142 : vector<16xf32>
        %add3A_144 = arith.addf %add3A_135, %mul3A_143 : vector<16xf32>
        %add3A_145 = arith.constant 16 : i32
        %add3A_146 = vector.broadcast %add3A_145 : i32 to vector<16xi32>
        %add3A_147 = arith.addi %broadcast_in_dim3A_137, %add3A_146 : vector<16xi32>
        %gather3A_148 = tpu.vector_load_idx %arg7[%add3A_147] : memref<80xf32, #tpu.memory_space<vmem>>[vector<16xi32>], vector<16xf32>,
        %get3A_149 = arith.constant 20 : i32
        %get3A_150 = arith.index_cast %get3A_149 : i32 to index
        %get3A_151 = arith.index_cast %mul3A_60 : i32 to index
        %get3A_152 = tpu.vector_load %arg9[%get3A_150, %get3A_151] {strides = array<i32>} : memref<32x1024xf32, #tpu.memory_space<vmem>>, vector<16xf32>,
        %mul3A_153 = arith.mulf %gather3A_148, %get3A_152 : vector<16xf32>
        %add3A_154 = arith.addf %add3A_144, %mul3A_153 : vector<16xf32>
        %broadcast_in_dim3A_155 = arith.constant 21 : i32
        %broadcast_in_dim3A_156 = vector.broadcast %broadcast_in_dim3A_155 : i32 to vector<16xi32>
        %gather3A_157 = tpu.vector_load_idx %arg7[%broadcast_in_dim3A_156] : memref<80xf32, #tpu.memory_space<vmem>>[vector<16xi32>], vector<16xf32>,
        %get3A_158 = arith.constant 5 : i32
        %get3A_159 = arith.index_cast %get3A_158 : i32 to index
        %get3A_160 = arith.index_cast %mul3A_60 : i32 to index
        %get3A_161 = tpu.vector_load %arg9[%get3A_159, %get3A_160] {strides = array<i32>} : memref<32x1024xf32, #tpu.memory_space<vmem>>, vector<16xf32>,
        %mul3A_162 = arith.mulf %gather3A_157, %get3A_161 : vector<16xf32>
        %add3A_163 = arith.addf %add3A_154, %mul3A_162 : vector<16xf32>
        %add3A_164 = arith.constant 16 : i32
        %add3A_165 = vector.broadcast %add3A_164 : i32 to vector<16xi32>
        %add3A_166 = arith.addi %broadcast_in_dim3A_156, %add3A_165 : vector<16xi32>
        %gather3A_167 = tpu.vector_load_idx %arg7[%add3A_166] : memref<80xf32, #tpu.memory_space<vmem>>[vector<16xi32>], vector<16xf32>,
        %get3A_168 = arith.constant 21 : i32
        %get3A_169 = arith.index_cast %get3A_168 : i32 to index
        %get3A_170 = arith.index_cast %mul3A_60 : i32 to index
        %get3A_171 = tpu.vector_load %arg9[%get3A_169, %get3A_170] {strides = array<i32>} : memref<32x1024xf32, #tpu.memory_space<vmem>>, vector<16xf32>,
        %mul3A_172 = arith.mulf %gather3A_167, %get3A_171 : vector<16xf32>
        %add3A_173 = arith.addf %add3A_163, %mul3A_172 : vector<16xf32>
        %broadcast_in_dim3A_174 = arith.constant 22 : i32
        %broadcast_in_dim3A_175 = vector.broadcast %broadcast_in_dim3A_174 : i32 to vector<16xi32>
        %gather3A_176 = tpu.vector_load_idx %arg7[%broadcast_in_dim3A_175] : memref<80xf32, #tpu.memory_space<vmem>>[vector<16xi32>], vector<16xf32>,
        %get3A_177 = arith.constant 6 : i32
        %get3A_178 = arith.index_cast %get3A_177 : i32 to index
        %get3A_179 = arith.index_cast %mul3A_60 : i32 to index
        %get3A_180 = tpu.vector_load %arg9[%get3A_178, %get3A_179] {strides = array<i32>} : memref<32x1024xf32, #tpu.memory_space<vmem>>, vector<16xf32>,
        %mul3A_181 = arith.mulf %gather3A_176, %get3A_180 : vector<16xf32>
        %add3A_182 = arith.addf %add3A_173, %mul3A_181 : vector<16xf32>
        %add3A_183 = arith.constant 16 : i32
        %add3A_184 = vector.broadcast %add3A_183 : i32 to vector<16xi32>
        %add3A_185 = arith.addi %broadcast_in_dim3A_175, %add3A_184 : vector<16xi32>
        %gather3A_186 = tpu.vector_load_idx %arg7[%add3A_185] : memref<80xf32, #tpu.memory_space<vmem>>[vector<16xi32>], vector<16xf32>,
        %get3A_187 = arith.constant 22 : i32
        %get3A_188 = arith.index_cast %get3A_187 : i32 to index
        %get3A_189 = arith.index_cast %mul3A_60 : i32 to index
        %get3A_190 = tpu.vector_load %arg9[%get3A_188, %get3A_189] {strides = array<i32>} : memref<32x1024xf32, #tpu.memory_space<vmem>>, vector<16xf32>,
        %mul3A_191 = arith.mulf %gather3A_186, %get3A_190 : vector<16xf32>
        %add3A_192 = arith.addf %add3A_182, %mul3A_191 : vector<16xf32>
        %broadcast_in_dim3A_193 = arith.constant 23 : i32
        %broadcast_in_dim3A_194 = vector.broadcast %broadcast_in_dim3A_193 : i32 to vector<16xi32>
        %gather3A_195 = tpu.vector_load_idx %arg7[%broadcast_in_dim3A_194] : memref<80xf32, #tpu.memory_space<vmem>>[vector<16xi32>], vector<16xf32>,
        %get3A_196 = arith.constant 7 : i32
        %get3A_197 = arith.index_cast %get3A_196 : i32 to index
        %get3A_198 = arith.index_cast %mul3A_60 : i32 to index
        %get3A_199 = tpu.vector_load %arg9[%get3A_197, %get3A_198] {strides = array<i32>} : memref<32x1024xf32, #tpu.memory_space<vmem>>, vector<16xf32>,
        %mul3A_200 = arith.mulf %gather3A_195, %get3A_199 : vector<16xf32>
        %add3A_201 = arith.addf %add3A_192, %mul3A_200 : vector<16xf32>
        %add3A_202 = arith.constant 16 : i32
        %add3A_203 = vector.broadcast %add3A_202 : i32 to vector<16xi32>
        %add3A_204 = arith.addi %broadcast_in_dim3A_194, %add3A_203 : vector<16xi32>
        %gather3A_205 = tpu.vector_load_idx %arg7[%add3A_204] : memref<80xf32, #tpu.memory_space<vmem>>[vector<16xi32>], vector<16xf32>,
        %get3A_206 = arith.constant 23 : i32
        %get3A_207 = arith.index_cast %get3A_206 : i32 to index
        %get3A_208 = arith.index_cast %mul3A_60 : i32 to index
        %get3A_209 = tpu.vector_load %arg9[%get3A_207, %get3A_208] {strides = array<i32>} : memref<32x1024xf32, #tpu.memory_space<vmem>>, vector<16xf32>,
        %mul3A_210 = arith.mulf %gather3A_205, %get3A_209 : vector<16xf32>
        %add3A_211 = arith.addf %add3A_201, %mul3A_210 : vector<16xf32>
        %broadcast_in_dim3A_212 = arith.constant 24 : i32
        %broadcast_in_dim3A_213 = vector.broadcast %broadcast_in_dim3A_212 : i32 to vector<16xi32>
        %gather3A_214 = tpu.vector_load_idx %arg7[%broadcast_in_dim3A_213] : memref<80xf32, #tpu.memory_space<vmem>>[vector<16xi32>], vector<16xf32>,
        %get3A_215 = arith.constant 8 : i32
        %get3A_216 = arith.index_cast %get3A_215 : i32 to index
        %get3A_217 = arith.index_cast %mul3A_60 : i32 to index
        %get3A_218 = tpu.vector_load %arg9[%get3A_216, %get3A_217] {strides = array<i32>} : memref<32x1024xf32, #tpu.memory_space<vmem>>, vector<16xf32>,
        %mul3A_219 = arith.mulf %gather3A_214, %get3A_218 : vector<16xf32>
        %add3A_220 = arith.addf %add3A_211, %mul3A_219 : vector<16xf32>
        %add3A_221 = arith.constant 16 : i32
        %add3A_222 = vector.broadcast %add3A_221 : i32 to vector<16xi32>
        %add3A_223 = arith.addi %broadcast_in_dim3A_213, %add3A_222 : vector<16xi32>
        %gather3A_224 = tpu.vector_load_idx %arg7[%add3A_223] : memref<80xf32, #tpu.memory_space<vmem>>[vector<16xi32>], vector<16xf32>,
        %get3A_225 = arith.constant 24 : i32
        %get3A_226 = arith.index_cast %get3A_225 : i32 to index
        %get3A_227 = arith.index_cast %mul3A_60 : i32 to index
        %get3A_228 = tpu.vector_load %arg9[%get3A_226, %get3A_227] {strides = array<i32>} : memref<32x1024xf32, #tpu.memory_space<vmem>>, vector<16xf32>,
        %mul3A_229 = arith.mulf %gather3A_224, %get3A_228 : vector<16xf32>
        %add3A_230 = arith.addf %add3A_220, %mul3A_229 : vector<16xf32>
        %broadcast_in_dim3A_231 = arith.constant 25 : i32
        %broadcast_in_dim3A_232 = vector.broadcast %broadcast_in_dim3A_231 : i32 to vector<16xi32>
        %gather3A_233 = tpu.vector_load_idx %arg7[%broadcast_in_dim3A_232] : memref<80xf32, #tpu.memory_space<vmem>>[vector<16xi32>], vector<16xf32>,
        %get3A_234 = arith.constant 9 : i32
        %get3A_235 = arith.index_cast %get3A_234 : i32 to index
        %get3A_236 = arith.index_cast %mul3A_60 : i32 to index
        %get3A_237 = tpu.vector_load %arg9[%get3A_235, %get3A_236] {strides = array<i32>} : memref<32x1024xf32, #tpu.memory_space<vmem>>, vector<16xf32>,
        %mul3A_238 = arith.mulf %gather3A_233, %get3A_237 : vector<16xf32>
        %add3A_239 = arith.addf %add3A_230, %mul3A_238 : vector<16xf32>
        %add3A_240 = arith.constant 16 : i32
        %add3A_241 = vector.broadcast %add3A_240 : i32 to vector<16xi32>
        %add3A_242 = arith.addi %broadcast_in_dim3A_232, %add3A_241 : vector<16xi32>
        %gather3A_243 = tpu.vector_load_idx %arg7[%add3A_242] : memref<80xf32, #tpu.memory_space<vmem>>[vector<16xi32>], vector<16xf32>,
        %get3A_244 = arith.constant 25 : i32
        %get3A_245 = arith.index_cast %get3A_244 : i32 to index
        %get3A_246 = arith.index_cast %mul3A_60 : i32 to index
        %get3A_247 = tpu.vector_load %arg9[%get3A_245, %get3A_246] {strides = array<i32>} : memref<32x1024xf32, #tpu.memory_space<vmem>>, vector<16xf32>,
        %mul3A_248 = arith.mulf %gather3A_243, %get3A_247 : vector<16xf32>
        %add3A_249 = arith.addf %add3A_239, %mul3A_248 : vector<16xf32>
        %broadcast_in_dim3A_250 = arith.constant 26 : i32
        %broadcast_in_dim3A_251 = vector.broadcast %broadcast_in_dim3A_250 : i32 to vector<16xi32>
        %gather3A_252 = tpu.vector_load_idx %arg7[%broadcast_in_dim3A_251] : memref<80xf32, #tpu.memory_space<vmem>>[vector<16xi32>], vector<16xf32>,
        %get3A_253 = arith.constant 10 : i32
        %get3A_254 = arith.index_cast %get3A_253 : i32 to index
        %get3A_255 = arith.index_cast %mul3A_60 : i32 to index
        %get3A_256 = tpu.vector_load %arg9[%get3A_254, %get3A_255] {strides = array<i32>} : memref<32x1024xf32, #tpu.memory_space<vmem>>, vector<16xf32>,
        %mul3A_257 = arith.mulf %gather3A_252, %get3A_256 : vector<16xf32>
        %add3A_258 = arith.addf %add3A_249, %mul3A_257 : vector<16xf32>
        %add3A_259 = arith.constant 16 : i32
        %add3A_260 = vector.broadcast %add3A_259 : i32 to vector<16xi32>
        %add3A_261 = arith.addi %broadcast_in_dim3A_251, %add3A_260 : vector<16xi32>
        %gather3A_262 = tpu.vector_load_idx %arg7[%add3A_261] : memref<80xf32, #tpu.memory_space<vmem>>[vector<16xi32>], vector<16xf32>,
        %get3A_263 = arith.constant 26 : i32
        %get3A_264 = arith.index_cast %get3A_263 : i32 to index
        %get3A_265 = arith.index_cast %mul3A_60 : i32 to index
        %get3A_266 = tpu.vector_load %arg9[%get3A_264, %get3A_265] {strides = array<i32>} : memref<32x1024xf32, #tpu.memory_space<vmem>>, vector<16xf32>,
        %mul3A_267 = arith.mulf %gather3A_262, %get3A_266 : vector<16xf32>
        %add3A_268 = arith.addf %add3A_258, %mul3A_267 : vector<16xf32>
        %broadcast_in_dim3A_269 = arith.constant 27 : i32
        %broadcast_in_dim3A_270 = vector.broadcast %broadcast_in_dim3A_269 : i32 to vector<16xi32>
        %gather3A_271 = tpu.vector_load_idx %arg7[%broadcast_in_dim3A_270] : memref<80xf32, #tpu.memory_space<vmem>>[vector<16xi32>], vector<16xf32>,
        %get3A_272 = arith.constant 11 : i32
        %get3A_273 = arith.index_cast %get3A_272 : i32 to index
        %get3A_274 = arith.index_cast %mul3A_60 : i32 to index
        %get3A_275 = tpu.vector_load %arg9[%get3A_273, %get3A_274] {strides = array<i32>} : memref<32x1024xf32, #tpu.memory_space<vmem>>, vector<16xf32>,
        %mul3A_276 = arith.mulf %gather3A_271, %get3A_275 : vector<16xf32>
        %add3A_277 = arith.addf %add3A_268, %mul3A_276 : vector<16xf32>
        %add3A_278 = arith.constant 16 : i32
        %add3A_279 = vector.broadcast %add3A_278 : i32 to vector<16xi32>
        %add3A_280 = arith.addi %broadcast_in_dim3A_270, %add3A_279 : vector<16xi32>
        %gather3A_281 = tpu.vector_load_idx %arg7[%add3A_280] : memref<80xf32, #tpu.memory_space<vmem>>[vector<16xi32>], vector<16xf32>,
        %get3A_282 = arith.constant 27 : i32
        %get3A_283 = arith.index_cast %get3A_282 : i32 to index
        %get3A_284 = arith.index_cast %mul3A_60 : i32 to index
        %get3A_285 = tpu.vector_load %arg9[%get3A_283, %get3A_284] {strides = array<i32>} : memref<32x1024xf32, #tpu.memory_space<vmem>>, vector<16xf32>,
        %mul3A_286 = arith.mulf %gather3A_281, %get3A_285 : vector<16xf32>
        %add3A_287 = arith.addf %add3A_277, %mul3A_286 : vector<16xf32>
        %broadcast_in_dim3A_288 = arith.constant 28 : i32
        %broadcast_in_dim3A_289 = vector.broadcast %broadcast_in_dim3A_288 : i32 to vector<16xi32>
        %gather3A_290 = tpu.vector_load_idx %arg7[%broadcast_in_dim3A_289] : memref<80xf32, #tpu.memory_space<vmem>>[vector<16xi32>], vector<16xf32>,
        %get3A_291 = arith.constant 12 : i32
        %get3A_292 = arith.index_cast %get3A_291 : i32 to index
        %get3A_293 = arith.index_cast %mul3A_60 : i32 to index
        %get3A_294 = tpu.vector_load %arg9[%get3A_292, %get3A_293] {strides = array<i32>} : memref<32x1024xf32, #tpu.memory_space<vmem>>, vector<16xf32>,
        %mul3A_295 = arith.mulf %gather3A_290, %get3A_294 : vector<16xf32>
        %add3A_296 = arith.addf %add3A_287, %mul3A_295 : vector<16xf32>
        %add3A_297 = arith.constant 16 : i32
        %add3A_298 = vector.broadcast %add3A_297 : i32 to vector<16xi32>
        %add3A_299 = arith.addi %broadcast_in_dim3A_289, %add3A_298 : vector<16xi32>
        %gather3A_300 = tpu.vector_load_idx %arg7[%add3A_299] : memref<80xf32, #tpu.memory_space<vmem>>[vector<16xi32>], vector<16xf32>,
        %get3A_301 = arith.constant 28 : i32
        %get3A_302 = arith.index_cast %get3A_301 : i32 to index
        %get3A_303 = arith.index_cast %mul3A_60 : i32 to index
        %get3A_304 = tpu.vector_load %arg9[%get3A_302, %get3A_303] {strides = array<i32>} : memref<32x1024xf32, #tpu.memory_space<vmem>>, vector<16xf32>,
        %mul3A_305 = arith.mulf %gather3A_300, %get3A_304 : vector<16xf32>
        %add3A_306 = arith.addf %add3A_296, %mul3A_305 : vector<16xf32>
        %broadcast_in_dim3A_307 = arith.constant 29 : i32
        %broadcast_in_dim3A_308 = vector.broadcast %broadcast_in_dim3A_307 : i32 to vector<16xi32>
        %gather3A_309 = tpu.vector_load_idx %arg7[%broadcast_in_dim3A_308] : memref<80xf32, #tpu.memory_space<vmem>>[vector<16xi32>], vector<16xf32>,
        %get3A_310 = arith.constant 13 : i32
        %get3A_311 = arith.index_cast %get3A_310 : i32 to index
        %get3A_312 = arith.index_cast %mul3A_60 : i32 to index
        %get3A_313 = tpu.vector_load %arg9[%get3A_311, %get3A_312] {strides = array<i32>} : memref<32x1024xf32, #tpu.memory_space<vmem>>, vector<16xf32>,
        %mul3A_314 = arith.mulf %gather3A_309, %get3A_313 : vector<16xf32>
        %add3A_315 = arith.addf %add3A_306, %mul3A_314 : vector<16xf32>
        %add3A_316 = arith.constant 16 : i32
        %add3A_317 = vector.broadcast %add3A_316 : i32 to vector<16xi32>
        %add3A_318 = arith.addi %broadcast_in_dim3A_308, %add3A_317 : vector<16xi32>
        %gather3A_319 = tpu.vector_load_idx %arg7[%add3A_318] : memref<80xf32, #tpu.memory_space<vmem>>[vector<16xi32>], vector<16xf32>,
        %get3A_320 = arith.constant 29 : i32
        %get3A_321 = arith.index_cast %get3A_320 : i32 to index
        %get3A_322 = arith.index_cast %mul3A_60 : i32 to index
        %get3A_323 = tpu.vector_load %arg9[%get3A_321, %get3A_322] {strides = array<i32>} : memref<32x1024xf32, #tpu.memory_space<vmem>>, vector<16xf32>,
        %mul3A_324 = arith.mulf %gather3A_319, %get3A_323 : vector<16xf32>
        %add3A_325 = arith.addf %add3A_315, %mul3A_324 : vector<16xf32>
        %broadcast_in_dim3A_326 = arith.constant 30 : i32
        %broadcast_in_dim3A_327 = vector.broadcast %broadcast_in_dim3A_326 : i32 to vector<16xi32>
        %gather3A_328 = tpu.vector_load_idx %arg7[%broadcast_in_dim3A_327] : memref<80xf32, #tpu.memory_space<vmem>>[vector<16xi32>], vector<16xf32>,
        %get3A_329 = arith.constant 14 : i32
        %get3A_330 = arith.index_cast %get3A_329 : i32 to index
        %get3A_331 = arith.index_cast %mul3A_60 : i32 to index
        %get3A_332 = tpu.vector_load %arg9[%get3A_330, %get3A_331] {strides = array<i32>} : memref<32x1024xf32, #tpu.memory_space<vmem>>, vector<16xf32>,
        %mul3A_333 = arith.mulf %gather3A_328, %get3A_332 : vector<16xf32>
        %add3A_334 = arith.addf %add3A_325, %mul3A_333 : vector<16xf32>
        %add3A_335 = arith.constant 16 : i32
        %add3A_336 = vector.broadcast %add3A_335 : i32 to vector<16xi32>
        %add3A_337 = arith.addi %broadcast_in_dim3A_327, %add3A_336 : vector<16xi32>
        %gather3A_338 = tpu.vector_load_idx %arg7[%add3A_337] : memref<80xf32, #tpu.memory_space<vmem>>[vector<16xi32>], vector<16xf32>,
        %get3A_339 = arith.constant 30 : i32
        %get3A_340 = arith.index_cast %get3A_339 : i32 to index
        %get3A_341 = arith.index_cast %mul3A_60 : i32 to index
        %get3A_342 = tpu.vector_load %arg9[%get3A_340, %get3A_341] {strides = array<i32>} : memref<32x1024xf32, #tpu.memory_space<vmem>>, vector<16xf32>,
        %mul3A_343 = arith.mulf %gather3A_338, %get3A_342 : vector<16xf32>
        %add3A_344 = arith.addf %add3A_334, %mul3A_343 : vector<16xf32>
        %broadcast_in_dim3A_345 = arith.constant 31 : i32
        %broadcast_in_dim3A_346 = vector.broadcast %broadcast_in_dim3A_345 : i32 to vector<16xi32>
        %gather3A_347 = tpu.vector_load_idx %arg7[%broadcast_in_dim3A_346] : memref<80xf32, #tpu.memory_space<vmem>>[vector<16xi32>], vector<16xf32>,
        %get3A_348 = arith.constant 15 : i32
        %get3A_349 = arith.index_cast %get3A_348 : i32 to index
        %get3A_350 = arith.index_cast %mul3A_60 : i32 to index
        %get3A_351 = tpu.vector_load %arg9[%get3A_349, %get3A_350] {strides = array<i32>} : memref<32x1024xf32, #tpu.memory_space<vmem>>, vector<16xf32>,
        %mul3A_352 = arith.mulf %gather3A_347, %get3A_351 : vector<16xf32>
        %add3A_353 = arith.addf %add3A_344, %mul3A_352 : vector<16xf32>
        %add3A_354 = arith.constant 16 : i32
        %add3A_355 = vector.broadcast %add3A_354 : i32 to vector<16xi32>
        %add3A_356 = arith.addi %broadcast_in_dim3A_346, %add3A_355 : vector<16xi32>
        %gather3A_357 = tpu.vector_load_idx %arg7[%add3A_356] : memref<80xf32, #tpu.memory_space<vmem>>[vector<16xi32>], vector<16xf32>,
        %get3A_358 = arith.constant 31 : i32
        %get3A_359 = arith.index_cast %get3A_358 : i32 to index
        %get3A_360 = arith.index_cast %mul3A_60 : i32 to index
        %get3A_361 = tpu.vector_load %arg9[%get3A_359, %get3A_360] {strides = array<i32>} : memref<32x1024xf32, #tpu.memory_space<vmem>>, vector<16xf32>,
        %mul3A_362 = arith.mulf %gather3A_357, %get3A_361 : vector<16xf32>
        %add3A_363 = arith.addf %add3A_353, %mul3A_362 : vector<16xf32>
        %swap3A_364 = arith.index_cast %mul3A_60 : i32 to index
        %swap3A_365 = tpu.vector_load %arg10[%swap3A_364] {strides = array<i32>} : memref<1024xf32, #tpu.memory_space<vmem>>, vector<16xf32>,
        tpu.vector_store %arg10[%swap3A_364], %add3A_363 {strides = array<i32>} : memref<1024xf32, #tpu.memory_space<vmem>>, vector<16xf32>,
        %scan3A_366 = arith.constant 0 : i32
        scf.yield %scan3A_366 : i32
      }
      %scan3A_55 = arith.constant 64 : i32
      "tpu.region"() ({
        %run_scoped3A = tpu.sem_alloc : memref<!tpu.dma_semaphore, #tpu.memory_space<semaphore_mem>>
        %dma_start3A_57 = arith.constant 0 : i32
        %dma_start3A_58 = tpu.memref_slice %arg4[%add3A_14, %dma_start3A_57] : memref<256x1024xf32, #tpu.memory_space<hbm>> -> memref<1x1024xf32, #tpu.memory_space<hbm>>
        %dma_start3A_59 = tpu.memref_squeeze %dma_start3A_58 : memref<1x1024xf32, #tpu.memory_space<hbm>> -> memref<1024xf32, #tpu.memory_space<hbm>>
        %dma_start3A_60 = arith.constant 0 : i32
        %dma_start3A_61 = tpu.memref_slice %arg4[%add3A_14, %dma_start3A_60] : memref<256x1024xf32, #tpu.memory_space<hbm>> -> memref<1x1024xf32, #tpu.memory_space<hbm>>
        %dma_start3A_62 = tpu.memref_squeeze %dma_start3A_61 : memref<1x1024xf32, #tpu.memory_space<hbm>> -> memref<1024xf32, #tpu.memory_space<hbm>>
        tpu.enqueue_dma source(%arg10 : memref<1024xf32, #tpu.memory_space<vmem>>) target(%dma_start3A_62 : memref<1024xf32, #tpu.memory_space<hbm>>) target_semaphore(%run_scoped3A : memref<!tpu.dma_semaphore, #tpu.memory_space<semaphore_mem>>)
        %dma_wait3A_63 = arith.constant 0 : i32
        %dma_wait3A_64 = tpu.memref_slice %arg4[%add3A_14, %dma_wait3A_63] : memref<256x1024xf32, #tpu.memory_space<hbm>> -> memref<1x1024xf32, #tpu.memory_space<hbm>>
        %dma_wait3A_65 = tpu.memref_squeeze %dma_wait3A_64 : memref<1x1024xf32, #tpu.memory_space<hbm>> -> memref<1024xf32, #tpu.memory_space<hbm>>
        %dma_wait3A_66 = arith.constant 0 : i32
        %dma_wait3A_67 = tpu.memref_slice %arg4[%add3A_14, %dma_wait3A_66] : memref<256x1024xf32, #tpu.memory_space<hbm>> -> memref<1x1024xf32, #tpu.memory_space<hbm>>
        %dma_wait3A_68 = tpu.memref_squeeze %dma_wait3A_67 : memref<1x1024xf32, #tpu.memory_space<hbm>> -> memref<1024xf32, #tpu.memory_space<hbm>>
        tpu.wait_dma2 semaphore(%run_scoped3A : memref<!tpu.dma_semaphore, #tpu.memory_space<semaphore_mem>>) src(%arg10 : memref<1024xf32, #tpu.memory_space<vmem>>) dst(%dma_wait3A_68 : memref<1024xf32, #tpu.memory_space<hbm>>)
        tpu.yield
      }) : () -> ()
      %scan3A_56 = arith.constant 0 : i32
      scf.yield %scan3A_56 : i32
    }
    %scan3A_11 = arith.constant 8 : i32
    return
  }
}

module attributes {stable_mosaic.version = 14 : i64} {
  func.func @_decode_body(%arg0: i32, %arg1: memref<256x4096xf32, #tpu.memory_space<vmem>>, %arg2: memref<1024x4096xf32, #tpu.memory_space<vmem>>, %arg3: memref<256x1024xf32, #tpu.memory_space<vmem>>) attributes {dimension_semantics = [#tpu.dimension_semantics<arbitrary>], iteration_bounds = array<i64: 15>, scalar_prefetch = 0 : i64, scratch_operands = 0 : i64, tpu.core_type = #tpu.core_type<tc>, window_params = [{transform_indices = @transform_0, window_bounds = array<i64: 256, 4096>}, {pipeline_mode = #tpu.pipeline_mode<synchronous>, transform_indices = @transform_1, window_bounds = array<i64: 1024, 4096>}, {transform_indices = @transform_2, window_bounds = array<i64: 256, 1024>}]} {
    %get3A = arith.constant 0 : index
    %get3A_0 = arith.constant 0 : index
    %get3A_1 = vector.load %arg1[%get3A, %get3A_0] : memref<256x4096xf32, #tpu.memory_space<vmem>>, vector<256x4096xf32>
    %get3A_2 = arith.constant 0 : index
    %get3A_3 = arith.constant 0 : index
    %get3A_4 = vector.load %arg2[%get3A_2, %get3A_3] : memref<1024x4096xf32, #tpu.memory_space<vmem>>, vector<1024x4096xf32>
    %dot_general3A = arith.constant dense<0.000000e+00> : vector<256x1024xf32>
    %dot_general3A_5 = tpu.matmul %get3A_1, %get3A_4, %dot_general3A {dimension_numbers = #tpu.dot_dimension_numbers<[1], [1], [0], [0], [0, 0, 1, 0], [], []>, transpose_lhs_hint = false} : vector<256x4096xf32>, vector<1024x4096xf32>, vector<256x1024xf32> -> vector<256x1024xf32>
    %swap3A = arith.constant 0 : index
    %swap3A_6 = arith.constant 0 : index
    %swap3A_7 = vector.load %arg3[%swap3A, %swap3A_6] : memref<256x1024xf32, #tpu.memory_space<vmem>>, vector<256x1024xf32>
    tpu.vector_store %arg3[%swap3A, %swap3A_6], %dot_general3A_5 {strides = array<i32>} : memref<256x1024xf32, #tpu.memory_space<vmem>>, vector<256x1024xf32>,
    return
  }
  func.func @transform_0(%arg0: i32) -> (i32, i32) {
    %add3A = arith.constant 1 : i32
    %add3A_0 = arith.addi %arg0, %add3A : i32
    %c0_i32 = arith.constant 0 : i32
    %c0_i32_1 = arith.constant 0 : i32
    return %add3A_0, %c0_i32 : i32, i32
  }
  func.func @transform_1(%arg0: i32) -> (i32, i32) {
    %c0_i32 = arith.constant 0 : i32
    %c0_i32_0 = arith.constant 0 : i32
    %c0_i32_1 = arith.constant 0 : i32
    return %c0_i32, %c0_i32_0 : i32, i32
  }
  func.func @transform_2(%arg0: i32) -> (i32, i32) {
    %c0_i32 = arith.constant 0 : i32
    %c0_i32_0 = arith.constant 0 : i32
    return %arg0, %c0_i32 : i32, i32
  }
}

module attributes {stable_mosaic.version = 14 : i64} {
  func.func @_encode_body(%arg0: i32, %arg1: memref<256x1024xf32, #tpu.memory_space<vmem>>, %arg2: memref<4096x1024xf32, #tpu.memory_space<vmem>>, %arg3: memref<1x4096xf32, #tpu.memory_space<vmem>>, %arg4: memref<1x4096xf32, #tpu.memory_space<vmem>>, %arg5: memref<1x4096xf32, #tpu.memory_space<vmem>>, %arg6: memref<256x4096xf32, #tpu.memory_space<vmem>>) attributes {dimension_semantics = [#tpu.dimension_semantics<arbitrary>], iteration_bounds = array<i64: 16>, scalar_prefetch = 0 : i64, scratch_operands = 0 : i64, tpu.core_type = #tpu.core_type<tc>, window_params = [{transform_indices = @transform_0, window_bounds = array<i64: 256, 1024>}, {pipeline_mode = #tpu.pipeline_mode<synchronous>, transform_indices = @transform_1, window_bounds = array<i64: 4096, 1024>}, {pipeline_mode = #tpu.pipeline_mode<synchronous>, transform_indices = @transform_2, window_bounds = array<i64: 1, 4096>}, {pipeline_mode = #tpu.pipeline_mode<synchronous>, transform_indices = @transform_3, window_bounds = array<i64: 1, 4096>}, {pipeline_mode = #tpu.pipeline_mode<synchronous>, transform_indices = @transform_4, window_bounds = array<i64: 1, 4096>}, {transform_indices = @transform_5, window_bounds = array<i64: 256, 4096>}]} {
    %get3A = arith.constant 0 : index
    %get3A_0 = arith.constant 0 : index
    %get3A_1 = vector.load %arg1[%get3A, %get3A_0] : memref<256x1024xf32, #tpu.memory_space<vmem>>, vector<256x1024xf32>
    %get3A_2 = arith.constant 0 : index
    %get3A_3 = arith.constant 0 : index
    %get3A_4 = vector.load %arg2[%get3A_2, %get3A_3] : memref<4096x1024xf32, #tpu.memory_space<vmem>>, vector<4096x1024xf32>
    %dot_general3A = arith.constant dense<0.000000e+00> : vector<256x4096xf32>
    %dot_general3A_5 = tpu.matmul %get3A_1, %get3A_4, %dot_general3A {dimension_numbers = #tpu.dot_dimension_numbers<[1], [1], [0], [0], [0, 0, 1, 0], [], []>, transpose_lhs_hint = false} : vector<256x1024xf32>, vector<4096x1024xf32>, vector<256x4096xf32> -> vector<256x4096xf32>
    %get3A_6 = arith.constant 0 : index
    %get3A_7 = arith.constant 0 : index
    %get3A_8 = vector.load %arg3[%get3A_6, %get3A_7] : memref<1x4096xf32, #tpu.memory_space<vmem>>, vector<1x4096xf32>
    %add3A = vector.broadcast %get3A_8 : vector<1x4096xf32> to vector<256x4096xf32>
    %add3A_9 = arith.addf %dot_general3A_5, %add3A : vector<256x4096xf32>
    %reduce_sum3A = arith.constant dense<0.000000e+00> : vector<256xf32>
    %reduce_sum3A_10 = vector.multi_reduction <add>, %add3A_9, %reduce_sum3A [1] : vector<256x4096xf32> to vector<256xf32>
    %broadcast_in_dim3A = vector.shape_cast %reduce_sum3A_10 : vector<256xf32> to vector<256x1xf32>
    %div3A = arith.constant 4.096000e+03 : f32
    %div3A_11 = vector.broadcast %div3A : f32 to vector<256x1xf32>
    %div3A_12 = arith.divf %broadcast_in_dim3A, %div3A_11 : vector<256x1xf32>
    %sub3A = vector.broadcast %div3A_12 : vector<256x1xf32> to vector<256x4096xf32>
    %sub3A_13 = arith.subf %add3A_9, %sub3A : vector<256x4096xf32>
    %integer_pow3A = arith.mulf %sub3A_13, %sub3A_13 : vector<256x4096xf32>
    %reduce_sum3A_14 = arith.constant dense<0.000000e+00> : vector<256xf32>
    %reduce_sum3A_15 = vector.multi_reduction <add>, %integer_pow3A, %reduce_sum3A_14 [1] : vector<256x4096xf32> to vector<256xf32>
    %broadcast_in_dim3A_16 = vector.shape_cast %reduce_sum3A_15 : vector<256xf32> to vector<256x1xf32>
    %div3A_17 = arith.constant 4.096000e+03 : f32
    %div3A_18 = vector.broadcast %div3A_17 : f32 to vector<256x1xf32>
    %div3A_19 = arith.divf %broadcast_in_dim3A_16, %div3A_18 : vector<256x1xf32>
    %sub3A_20 = vector.broadcast %div3A_12 : vector<256x1xf32> to vector<256x4096xf32>
    %sub3A_21 = arith.subf %add3A_9, %sub3A_20 : vector<256x4096xf32>
    %add3A_22 = arith.constant 9.99999974E-6 : f32
    %add3A_23 = vector.broadcast %add3A_22 : f32 to vector<256x1xf32>
    %add3A_24 = arith.addf %div3A_19, %add3A_23 : vector<256x1xf32>
    %rsqrt3A = math.rsqrt %add3A_24 : vector<256x1xf32>
    %mul3A = vector.broadcast %rsqrt3A : vector<256x1xf32> to vector<256x4096xf32>
    %mul3A_25 = arith.mulf %sub3A_21, %mul3A : vector<256x4096xf32>
    %get3A_26 = arith.constant 0 : index
    %get3A_27 = arith.constant 0 : index
    %get3A_28 = vector.load %arg4[%get3A_26, %get3A_27] : memref<1x4096xf32, #tpu.memory_space<vmem>>, vector<1x4096xf32>
    %mul3A_29 = vector.broadcast %get3A_28 : vector<1x4096xf32> to vector<256x4096xf32>
    %mul3A_30 = arith.mulf %mul3A_25, %mul3A_29 : vector<256x4096xf32>
    %get3A_31 = arith.constant 0 : index
    %get3A_32 = arith.constant 0 : index
    %get3A_33 = vector.load %arg5[%get3A_31, %get3A_32] : memref<1x4096xf32, #tpu.memory_space<vmem>>, vector<1x4096xf32>
    %add3A_34 = vector.broadcast %get3A_33 : vector<1x4096xf32> to vector<256x4096xf32>
    %add3A_35 = arith.addf %mul3A_30, %add3A_34 : vector<256x4096xf32>
    %reshape3A = vector.shape_cast %add3A_35 : vector<256x4096xf32> to vector<256x32x128xf32>
    %reduce_max3A = arith.constant dense<0xFF800000> : vector<256x32xf32>
    %reduce_max3A_36 = vector.multi_reduction <maximumf>, %reshape3A, %reduce_max3A [2] : vector<256x32x128xf32> to vector<256x32xf32>
    %reduce_min3A = arith.constant dense<0x7F800000> : vector<256xf32>
    %reduce_min3A_37 = vector.multi_reduction <minimumf>, %reduce_max3A_36, %reduce_min3A [1] : vector<256x32xf32> to vector<256xf32>
    %broadcast_in_dim3A_38 = vector.shape_cast %reduce_min3A_37 : vector<256xf32> to vector<256x1xf32>
    %reduce_max3A_39 = arith.constant dense<0xFF800000> : vector<256xf32>
    %reduce_max3A_40 = vector.multi_reduction <maximumf>, %reduce_max3A_36, %reduce_max3A_39 [1] : vector<256x32xf32> to vector<256xf32>
    %broadcast_in_dim3A_41 = vector.shape_cast %reduce_max3A_40 : vector<256xf32> to vector<256x1xf32>
    %broadcast_in_dim3A_42 = arith.constant 1 : i32
    %broadcast_in_dim3A_43 = vector.broadcast %broadcast_in_dim3A_42 : i32 to vector<256x1xi32>
    %scan3A = arith.constant 0 : i32
    %scan3A_44 = arith.constant 8 : i32
    %scan3A_45 = arith.addi %scan3A, %scan3A_44 : i32
    %scan3A_46 = arith.constant 1 : i32
    %scan3A_47:3 = scf.for %scan3A_62 = %scan3A to %scan3A_45 step %scan3A_46 iter_args(%scan3A_63 = %broadcast_in_dim3A_38, %scan3A_64 = %broadcast_in_dim3A_41, %scan3A_65 = %broadcast_in_dim3A_43) -> (vector<256x1xf32>, vector<256x1xf32>, vector<256x1xi32>)  : i32 {
      %add3A_66 = arith.addf %scan3A_63, %scan3A_64 : vector<256x1xf32>
      %mul3A_67 = arith.constant 5.000000e-01 : f32
      %mul3A_68 = vector.broadcast %mul3A_67 : f32 to vector<256x1xf32>
      %mul3A_69 = arith.mulf %mul3A_68, %add3A_66 : vector<256x1xf32>
      %ge3A_70 = vector.broadcast %mul3A_69 : vector<256x1xf32> to vector<256x4096xf32>
      %ge3A_71 = arith.cmpf oge, %add3A_35, %ge3A_70 : vector<256x4096xf32>
      %convert_element_type3A = arith.extui %ge3A_71 : vector<256x4096xi1> to vector<256x4096xi32>
      %reduce_sum3A_72 = arith.constant dense<0> : vector<256xi32>
      %reduce_sum3A_73 = vector.multi_reduction <add>, %convert_element_type3A, %reduce_sum3A_72 [1] : vector<256x4096xi32> to vector<256xi32>
      %broadcast_in_dim3A_74 = vector.shape_cast %reduce_sum3A_73 : vector<256xi32> to vector<256x1xi32>
      %ge3A_75 = arith.constant 32 : i32
      %ge3A_76 = vector.broadcast %ge3A_75 : i32 to vector<256x1xi32>
      %ge3A_77 = arith.cmpi sge, %broadcast_in_dim3A_74, %ge3A_76 : vector<256x1xi32>
      %select_n3A_78 = arith.select %ge3A_77, %mul3A_69, %scan3A_63 : vector<256x1xi1>, vector<256x1xf32>
      %select_n3A_79 = arith.select %ge3A_77, %scan3A_64, %mul3A_69 : vector<256x1xi1>, vector<256x1xf32>
      %select_n3A_80 = arith.select %ge3A_77, %scan3A_65, %broadcast_in_dim3A_74 : vector<256x1xi1>, vector<256x1xi32>
      scf.yield %select_n3A_78, %select_n3A_79, %select_n3A_80 : vector<256x1xf32>, vector<256x1xf32>, vector<256x1xi32>
    }
    %sub3A_48 = arith.constant 32 : i32
    %sub3A_49 = vector.broadcast %sub3A_48 : i32 to vector<256x1xi32>
    %sub3A_50 = arith.subi %sub3A_49, %scan3A_47#2 : vector<256x1xi32>
    %scan3A_51 = arith.constant 0xFF800000 : f32
    %scan3A_52 = arith.constant 0 : i32
    %scan3A_53 = arith.constant 7 : i32
    %scan3A_54 = arith.addi %scan3A_52, %scan3A_53 : i32
    %scan3A_55 = arith.constant 1 : i32
    %scan3A_56 = scf.for %scan3A_62 = %scan3A_52 to %scan3A_54 step %scan3A_55 iter_args(%scan3A_63 = %scan3A_47#1) -> (vector<256x1xf32>)  : i32 {
      %lt3A = vector.broadcast %scan3A_63 : vector<256x1xf32> to vector<256x4096xf32>
      %lt3A_64 = arith.cmpf olt, %add3A_35, %lt3A : vector<256x4096xf32>
      %broadcast_in_dim3A_65 = vector.broadcast %scan3A_51 : f32 to vector<256x4096xf32>
      %select_n3A_66 = arith.select %lt3A_64, %add3A_35, %broadcast_in_dim3A_65 : vector<256x4096xi1>, vector<256x4096xf32>
      %reduce_max3A_67 = arith.constant dense<0xFF800000> : vector<256xf32>
      %reduce_max3A_68 = vector.multi_reduction <maximumf>, %select_n3A_66, %reduce_max3A_67 [1] : vector<256x4096xf32> to vector<256xf32>
      %broadcast_in_dim3A_69 = vector.shape_cast %reduce_max3A_68 : vector<256xf32> to vector<256x1xf32>
      %lt3A_70 = vector.broadcast %scan3A_62 : i32 to vector<256x1xi32>
      %lt3A_71 = arith.cmpi slt, %lt3A_70, %sub3A_50 : vector<256x1xi32>
      %select_n3A_72 = arith.select %lt3A_71, %broadcast_in_dim3A_69, %scan3A_63 : vector<256x1xi1>, vector<256x1xf32>
      scf.yield %select_n3A_72 : vector<256x1xf32>
    }
    %scan3A_57 = arith.constant 7 : i32
    %ge3A = vector.broadcast %scan3A_56 : vector<256x1xf32> to vector<256x4096xf32>
    %ge3A_58 = arith.cmpf oge, %add3A_35, %ge3A : vector<256x4096xf32>
    %jit3A = arith.constant 0.000000e+00 : f32
    %broadcast_in_dim3A_59 = vector.broadcast %jit3A : f32 to vector<256x4096xf32>
    %select_n3A = arith.select %ge3A_58, %add3A_35, %broadcast_in_dim3A_59 : vector<256x4096xi1>, vector<256x4096xf32>
    %swap3A = arith.constant 0 : index
    %swap3A_60 = arith.constant 0 : index
    %swap3A_61 = vector.load %arg6[%swap3A, %swap3A_60] : memref<256x4096xf32, #tpu.memory_space<vmem>>, vector<256x4096xf32>
    tpu.vector_store %arg6[%swap3A, %swap3A_60], %select_n3A {strides = array<i32>} : memref<256x4096xf32, #tpu.memory_space<vmem>>, vector<256x4096xf32>,
    return
  }
  func.func @transform_0(%arg0: i32) -> (i32, i32) {
    %c0_i32 = arith.constant 0 : i32
    %c0_i32_0 = arith.constant 0 : i32
    return %arg0, %c0_i32 : i32, i32
  }
  func.func @transform_1(%arg0: i32) -> (i32, i32) {
    %c0_i32 = arith.constant 0 : i32
    %c0_i32_0 = arith.constant 0 : i32
    %c0_i32_1 = arith.constant 0 : i32
    return %c0_i32, %c0_i32_0 : i32, i32
  }
  func.func @transform_2(%arg0: i32) -> (i32, i32) {
    %c0_i32 = arith.constant 0 : i32
    %c0_i32_0 = arith.constant 0 : i32
    %c0_i32_1 = arith.constant 0 : i32
    return %c0_i32, %c0_i32_0 : i32, i32
  }
  func.func @transform_3(%arg0: i32) -> (i32, i32) {
    %c0_i32 = arith.constant 0 : i32
    %c0_i32_0 = arith.constant 0 : i32
    %c0_i32_1 = arith.constant 0 : i32
    return %c0_i32, %c0_i32_0 : i32, i32
  }
  func.func @transform_4(%arg0: i32) -> (i32, i32) {
    %c0_i32 = arith.constant 0 : i32
    %c0_i32_0 = arith.constant 0 : i32
    %c0_i32_1 = arith.constant 0 : i32
    return %c0_i32, %c0_i32_0 : i32, i32
  }
  func.func @transform_5(%arg0: i32) -> (i32, i32) {
    %c0_i32 = arith.constant 0 : i32
    %c0_i32_0 = arith.constant 0 : i32
    return %arg0, %c0_i32 : i32, i32
  }
}

</mosaic_0001>

<sc_bundles>
// kernel: kernel.5.cloned.1.call-start
scs
__scs_entry_jumppad:
0x0: {  	(pc) =	sbr.rel $0x88, $3  }
0x1: {  	(tag) =	ssettag $0x0;
	lr =	simm.s32 $0x1  }
0x2: {  	[smem:$0x3F9B] =	sst lr;
	_ =	strace $0xD0000000  }
0x3: {  	_ = 	snop  }
0x4: {  	_ = 	snop  }
0x5: {  	_ = 	snop  }
0x6: {  	_ = 	snop  }
0x7: {  	_ = 	snop  }
__scs_overlays_trampoline_lowered:
0x8: {  	[smem:$0x3FAA] =	sst s0  }
0x9: {  	[smem:$0x3FAB] =	sst s1  }
0xa: {  	[smem:$0x3FAC] =	sst s2  }
0xb: {  	[smem:$0x3FAD] =	sst s3  }
0xc: {  	[smem:$0x3FAE] =	sst s4  }
0xd: {  	[smem:$0x3FAF] =	sst s5  }
0xe: {  	[smem:$0x3FB0] =	sst s6  }
0xf: {  	[smem:$0x3FB1] =	sst s7  }
0x10: {  	[smem:$0x3FB2] =	sst s8  }
0x11: {  	[smem:$0x3FB3] =	sst s9;
	s0 =	simm.s32 @!p0 $0x0  }
0x12: {  	s1 =	sld [smem:$0x3F99];
	s0 =	simm.s32 @p0 $0x1  }
0x13: {  	[smem:$0x3FB4] =	sst s0;
	s0 =	simm.s32 @!p1 $0x0  }
0x14: {  	s2 =	sld [smem:$0x3F98];
	s0 =	simm.s32 @p1 $0x1  }
0x15: {  	[smem:$0x3FB5] =	sst s0;
	s0 =	simm.s32 @!p2 $0x0  }
0x16: {  	s3 =	sld [smem:$0x3FDB];
	s0 =	simm.s32 @p2 $0x1  }
0x17: {  	s4 =	simm.s32 $0x1BF5;
	[smem:$0x3FB7] =	sst s0  }
0x18: {  	s0 =	sld [smem:$0x3F9A];
	_ =	swait.ge [sflag:s4], $0x0  }
0x19: {  	s7 =	sld [smem:$0x3F9B]  }
0x1a: {  	s8 =	sadd.s32 $0xFFFFE003, lr  }
0x1b: {  	s9 =	sadd.s32 $0xFFFFFEF7, lr;
	s5 =	simm.s32 $0xFFFFFFFF;
	p2 =	slt.u32 s8, $0xFFFFF086  }
0x1c: {  	p1 =	slt.u32 s9, $0xF7A;
	s5 =	simm.s32 @!p2 $0x0  }
0x1d: {  	s5 =	simm.s32 @p1 $0x1;
	p0 =	seq.s32 s7, s2  }
0x1e: {  	s7 =	smul.u32 @!p0 $0xF7A, s2;
	p2 =	seq.s32 @!p0 s5, $0x0  }
0x1f: {  	s9 =	smul.u32 $0xF7A, s1;
	s8 =	simm.s32 @!p0 $0x1BF5;
	p2 =	por !p2, p0  }
0x20: {  	[sflag:s8] =	ssyncset.s32 @!p0 $0xFFFFF086;
	s6 =	sadd.s32 @!p0 s3, s7;
	s7 =	simm.s32 @!p0 $0x108  }
0x21: {  	s3 =	sadd.s32 s3, s9;
	s6 =	sadd.s32 @!p0 $0x88, s6;
	s7 =	simm.s32 @p2 $0x1082  }
0x22: {  	[simem:s7], [sflag:s8] =	dma.local @!p0 [hbm:s6], $0xF7A  }
0x23: {  	s9 =	sor.u32 $0xD0000000, s2;
	s6 =	simm.s32 $0x108;
	_ =	swait.ge @!p0 [sflag:s8], $0x0  }
0x24: {  	s3 =	sadd.s32 $0x88, s3;
	s6 =	simm.s32 @!p1 $0x1082;
	[sflag:s4] =	ssyncset.s32 $0xFFFFF086  }
0x25: {  	[simem:s6], [sflag:s4] =	dma.local [hbm:s3], $0xF7A  }
0x26: {  	[smem:$0x3F9B] =	sst s1;
	(tag) =	ssettag s2;
	_ =	strace s9  }
0x27: {  	s1 =	sld [smem:$0x3FAB]  }
0x28: {  	s2 =	sld [smem:$0x3FAC]  }
0x29: {  	s4 =	sld [smem:$0x3FAE]  }
0x2a: {  	p0 =	seq.s32 s5, $0x0;
	s5 =	sld [smem:$0x3FAF]  }
0x2b: {  	s6 =	sld [smem:$0x3FB0]  }
0x2c: {  	s7 =	sld [smem:$0x3FB1]  }
0x2d: {  	s3 =	simm.s32 $0x108;
	s8 =	sld [smem:$0x3FB2]  }
0x2e: {  	s3 =	simm.s32 @!p0 $0x1082;
	s9 =	sld [smem:$0x3FB3]  }
0x2f: {  	lr =	sadd.s32 s0, s3;
	s0 =	sld [smem:$0x3FAA]  }
0x30: {  	s3 =	sld [smem:$0x3FAD]  }
0x31: {  	[smem:$0x3FB6] =	sst s10  }
0x32: {  	s10 =	sld [smem:$0x3FB4];
	_ =	sdelay $0x3  }
0x33: {  	p0 =	seq.s32 s10, $0x1;
	s10 =	sld [smem:$0x3FB6];
	_ =	sdelay $0x3  }
0x34: {  	[smem:$0x3FB6] =	sst s10  }
0x35: {  	s10 =	sld [smem:$0x3FB5];
	_ =	sdelay $0x3  }
0x36: {  	p1 =	seq.s32 s10, $0x1;
	s10 =	sld [smem:$0x3FB6];
	_ =	sdelay $0x3  }
0x37: {  	[smem:$0x3FB6] =	sst s10  }
0x38: {  	s10 =	sld [smem:$0x3FB7]  }
0x39: {  	_ = 	snop;
	(pc) =	sbr.ind lr, $3  }
0x3a: {  	_ = 	snop  }
0x3b: {  	_ = 	snop  }
0x3c: {  	p2 =	seq.s32 s10, $0x1;
	s10 =	sld [smem:$0x3FB6]  }
0x3d: {  	_ =	shalt  }
0x3e: {  	_ =	shalt  }
0x3f: {  	_ =	shalt  }
0x40: {  	_ =	shalt  }
0x41: {  	_ =	shalt  }
0x42: {  	_ =	shalt  }
0x43: {  	_ =	shalt  }
0x44: {  	_ =	shalt  }
0x45: {  	_ =	shalt  }
0x46: {  	_ =	shalt  }
0x47: {  	_ =	shalt  }
0x48: {  	_ =	shalt  }
0x49: {  	_ =	shalt  }
0x4a: {  	_ =	shalt  }
0x4b: {  	_ =	shalt  }
0x4c: {  	_ =	shalt  }
0x4d: {  	_ =	shalt  }
0x4e: {  	_ =	shalt  }
0x4f: {  	_ =	shalt  }
0x50: {  	_ =	shalt  }
0x51: {  	_ =	shalt  }
0x52: {  	_ =	shalt  }
0x53: {  	_ =	shalt  }
0x54: {  	_ =	shalt  }
0x55: {  	_ =	shalt  }
0x56: {  	_ =	shalt  }
0x57: {  	_ =	shalt  }
0x58: {  	_ =	shalt  }
0x59: {  	_ =	shalt  }
0x5a: {  	_ =	shalt  }
0x5b: {  	_ =	shalt  }
0x5c: {  	_ =	shalt  }
0x5d: {  	_ =	shalt  }
0x5e: {  	_ =	shalt  }
0x5f: {  	_ =	shalt  }
0x60: {  	_ =	shalt  }
0x61: {  	_ =	shalt  }
0x62: {  	_ =	shalt  }
0x63: {  	_ =	shalt  }
0x64: {  	_ =	shalt  }
0x65: {  	_ =	shalt  }
0x66: {  	_ =	shalt  }
0x67: {  	_ =	shalt  }
0x68: {  	_ =	shalt  }
0x69: {  	_ =	shalt  }
0x6a: {  	_ =	shalt  }
0x6b: {  	_ =	shalt  }
0x6c: {  	_ =	shalt  }
0x6d: {  	_ =	shalt  }
0x6e: {  	_ =	shalt  }
0x6f: {  	_ =	shalt  }
0x70: {  	_ =	shalt  }
0x71: {  	_ =	shalt  }
0x72: {  	_ =	shalt  }
0x73: {  	_ =	shalt  }
0x74: {  	_ =	shalt  }
0x75: {  	_ =	shalt  }
0x76: {  	_ =	shalt  }
0x77: {  	_ =	shalt  }
0x78: {  	_ =	shalt  }
0x79: {  	_ =	shalt  }
0x7a: {  	_ =	shalt  }
0x7b: {  	_ =	shalt  }
0x7c: {  	_ =	shalt  }
0x7d: {  	_ =	shalt  }
0x7e: {  	_ =	shalt  }
0x7f: {  	_ =	shalt  }
0x80: {  	_ =	shalt  }
0x81: {  	_ =	shalt  }
0x82: {  	_ =	shalt  }
0x83: {  	_ =	shalt  }
0x84: {  	_ =	shalt  }
0x85: {  	_ =	shalt  }
0x86: {  	_ =	shalt  }
0x87: {  	_ =	shalt  }
.Lfunc_end0:
.L_simem_size_0:
called_computation_lowered:
.L_overlay_start_0:
0x88: {  	s2 =	sld [smem:$0x3FD9]  }
0x89: {  	s3 =	sld [smem:$0x3FFE];
	_ =	sdelay $0x1  }
0x8a: {  	s1 =	srdreg.scid  }
0x8b: {  	s0 =	sand.u32 $0x1, s1  }
0x8c: {  	s17 =	sshll.u32 s0, $0xA;
	s2 =	sadd.s32 s3, s2  }
0x8d: {  	s2 =	sadd.s32 s2, s17  }
0x8e: {  	[smem:$0x3FC2] =	sst s2  }
0x8f: {  	_ = 	snop  }
0x90: {  	s2 =	sld [smem:$0x3FD0];
	(tm) =	ssettm $0x1  }
0x91: {  	s18 =	sld [smem:$0x3FFB];
	_ =	sdelay $0x3  }
0x92: {  	_ =	strace s18  }
0x93: {  	s3 =	sld [smem:$0x3FFC];
	_ =	sdelay $0x3  }
0x94: {  	_ =	strace s3  }
0x95: {  	s3 =	sld [smem:$0x3FFD];
	_ =	sdelay $0x3  }
0x96: {  	_ =	strace s3  }
0x97: {  	_ =	strace $0x8FFFFFFF  }
0x98: {  	s19 =	sld [smem:$0x3FDB];
	_ =	sdelay $0x1  }
0x99: {  	s4 =	simm.s32 $_scs_section_size  }
0x9a: {  	s5 =	simm.s32 $_size__tile_overlayer_lowered;
	s6 =	simm.s32 $_tile_overlayer_lowered  }
0x9b: {  	s22 =	simm.s32 $0x1BFF;
	s21 =	sshll.u32 s6, $0x1;
	s3 =	sadd.s32 s4, s19  }
0x9c: {  	s7 =	simm.s32 $0x0;
	s20 =	sshll.u32 s5, $0x1;
	s5 =	sadd.s32 s21, s3  }
0x9d: {  	[timem:s7], [sflag:s22] =	dma.local [hbm:s5], s20  }
0x9e: {  	_ =	swait.ge [sflag:s22], s20  }
0x9f: {  	s4 =	ssub.s32 $0x0, s20;
	[sflag:s22] =	ssyncset.done $0x0  }
0xa0: {  	[sflag:s22] =	ssyncadd.s32 s4;
	_ =	sdelay $0x1  }
0xa1: {  	s23 =	simm.s32 $0x1B8B  }
0xa2: {  	_ =	swait.ge [sflag:s23], $0x1  }
0xa3: {  	[sflag:s23] =	ssyncset.done $0x0  }
0xa4: {  	s25 =	simm.s32 $0x1B8E;
	s24 =	sld [smem:$0x3FFE];
	[sflag:s23] =	ssyncadd.s32 $0xFFFFFFFF  }
0xa5: {  	s26 =	simm.s32 $execute0_lowered;
	[smem:$0x3FD2] =	sst s25  }
0xa6: {  	s5 =	sshll.u32 s26, $0x1;
	_ =	strace $0x80000046;
	[dreg:$0x1] =	wrdreg $0xFFFFFFFF  }
0xa7: {  	s28 =	simm.s32 $_size_execute0_lowered;
	s3 =	sadd.s32 s3, s5;
	[dreg:$0x0] =	wrdreg $0x0  }
0xa8: {  	s5 =	sshll.u32 s28, $0x1;
	[dreg:$0x2] =	wrdreg s3  }
0xa9: {  	[dreg:$0x3] =	wrdreg s5  }
0xaa: {  	[dreg:$0x4] =	wrdreg $0xC0  }
0xab: {  	_ =	task [dreg:s7], $0x5FFFF  }
0xac: {  	[dreg:$0x1] =	wrdreg $0xFFFFFFFF  }
0xad: {  	[dreg:$0x0] =	wrdreg $0x60  }
0xae: {  	[dreg:$0x2] =	wrdreg s24  }
0xaf: {  	[dreg:$0x3] =	wrdreg s2  }
0xb0: {  	[dreg:$0x4] =	wrdreg $0x9  }
0xb1: {  	_ =	task.clear_ibuf [dreg:s7], $0x5FFFF;
	_ =	strace $0x90000046  }
0xb2: {  	s29 =	simm.s32 $0x9;
	_ =	strace $0x80000048  }
0xb3: {  	_ =	swait.ge [sflag:s29], $0x1  }
0xb4: {  	[sflag:s29] =	ssyncadd.s32 $0xFFFFFFFF  }
0xb5: {  	_ =	strace $0x90000048  }
0xb6: {  	_ =	sfence  }
0xb7: {  	s30 =	sld [smem:$0x0];
	_ =	sdelay $0x2  }
0xb8: {  	s31 =	sshll.u32 s1, $0xD;
	s1 =	sshrl.u32 s1, $0x2  }
0xb9: {  	s3 =	sand.u32 $0x4000, s31;
	s1 =	sadd.s32 s1, s30  }
0xba: {  	s0 =	sor.u32 s3, s0;
	s1 =	sshll.u32 s1, $0x11  }
0xbb: {  	s0 =	sor.u32 s1, s0  }
0xbc: {  	s0 =	sadd.s32 $0x8F2B, s0  }
0xbd: {  	[sflag:s0] =	ssyncadd.remote.s32 $0x1  }
0xbe: {  	_ =	sfence.sel $0xFFFF  }
0xbf: {  	[dreg:$0x0] =	wrdreg $0xFFFFFFFF;
	(pc) =	sbr.abs _section_cstart, $3  }
0xc0: {  	[dreg:$0x1] =	wrdreg $0xFFFFFFFF  }
0xc1: {  	_ =	task.clear_ibuf [dreg:s7], $0x2FFFF;
	_ =	strace $0x9FFFFFFF  }
0xc2: {  	(tm) =	ssettm $0x7FFFFFFF  }
0xc3: {  	_ =	shalt  }
tec
execute0_lowered:
.L_overlay_start_1:
0x0: {  	(tag) =	ssettag $0x1  }
0x1: {  	s0 =	rddreg [dreg:$0x0];
	v0 =	vimm.f32 $0.0e+00;
	v1 =	vlaneseq.u32  }
0x2: {  	s1 =	rddreg [dreg:$0x1];
	v2 =	vimm.s32 $0x0;
	v3 =	vimm.s32 $0xF;
	vm0 =	vmmov $0xffff  }
0x3: {  	s17 =	simm.s32 $0x0;
	s2 =	srdreg.scid;
	s5 =	stileid.u32;
	v7 =	vimm.s32 $0x10;
	v8 =	vimm.s32 $0x20;
	v9 =	vimm.s32 $0x11  }
0x4: {  	v10 =	vimm.s32 $0x21;
	v11 =	vimm.s32 $0x12;
	v12 =	vimm.s32 $0x22;
	s12 =	simm.s32 $0x80;
	s13 =	simm.s32 $0x400;
	s14 =	simm.s32 $0x2  }
0x5: {  	v13 =	vimm.s32 $0x13;
	v14 =	vimm.s32 $0x23;
	v15 =	vimm.s32 $0x14;
	s15 =	simm.s32 $0x1000;
	s16 =	simm.s32 $0x1080;
	s24 =	simm.s32 $0x4980  }
0x6: {  	v16 =	vimm.s32 $0x24;
	v17 =	vimm.s32 $0x15;
	v18 =	vimm.s32 $0x25;
	s25 =	simm.s32 $0x5180;
	s28 =	simm.s32 $0x6180;
	s29 =	simm.s32 $0x6980  }
0x7: {  	v19 =	vimm.s32 $0x16;
	v20 =	vimm.s32 $0x26;
	v21 =	vimm.s32 $0x17;
	s30 =	simm.s32 $0x7180;
	s31 =	simm.s32 $0x7980;
	s11 =	simm.s32 $0x1  }
0x8: {  	v22 =	vimm.s32 $0x27;
	v23 =	vimm.s32 $0x18;
	v24 =	vimm.s32 $0x28;
	[smem:$0x7FF] =	sst s17;
	s2 =	sand.u32 $0x1, s2;
	s4 =	sadd.s32 $0xC00, s0  }
0x9: {  	v25 =	vimm.s32 $0x19;
	v26 =	vimm.s32 $0x29;
	v27 =	vimm.s32 $0x1A;
	s6 =	sshll.u32 s5, $0x1;
	s5 =	sadd.s32 $0x200C00, s0;
	s7 =	sadd.s32 $0x100, s1  }
0xa: {  	v28 =	vimm.s32 $0x2A;
	v29 =	vimm.s32 $0x1B;
	v30 =	vimm.s32 $0x2B;
	s8 =	sadd.s32 $0x200, s1;
	s9 =	sadd.s32 $0x300, s1;
	s3 =	ssub.s32 $0x2, s2  }
0xb: {  	v31 =	vimm.s32 $0x1C;
	v32 =	vimm.s32 $0x2C;
	v33 =	vimm.s32 $0x1D;
	_ =	strace $0x80000047;
	s2 =	sor.u32 s2, s6;
	s26 =	sshrl.u32 s3, $0x1  }
0xc: {  	v34 =	vimm.s32 $0x2D;
	v35 =	vimm.s32 $0x1E;
	v36 =	vimm.s32 $0x2E;
	s6 =	sshll.u32 s2, $0xF;
	s10 =	sshll.u32 s2, $0xD;
	s0 =	ssub.s32 s3, s26  }
0xd: {  	v37 =	vimm.s32 $0x1F;
	v38 =	vimm.s32 $0x2F;
	v5 =	vshrl.u32 v1, $0x3;
	s2 =	simm.s32 $0x9180;
	s26 =	simm.s32 $0x5980;
	s0 =	smax.u32 s0, $0x1  }
0xe: {  	v4 =	vand.u32 $0x7, v1;
	v6 =	vor.u32 $0x8, v1;
	v5 =	vmul.u32 $0x8, v5;
	s3 =	simm.s32 $0x8980;
	[dreg:$0x4] =	wrdreg s0;
	s0 =	simm.s32 $0x8180  }
.LBB2_1:
0xf: {  	[dreg:$0x3] =	wrdreg s17;
	s17 =	simm.s32 $0x0  }
.LBB2_2:
0x10: {  	s18 =	sshll.u32 s17, $0x7  }
0x11: {  	s19 =	sadd.s32 s6, s18  }
0x12: {  	s19 =	sshrl.u32 s19, $0x3  }
0x13: {  	s20 =	sadd.s32 s4, s19;
	s19 =	simm.s32 $0x0  }
0x14: {  	[tilespmem:s19], [sflag:$0x2] =	stream.strided.gather [hbm4b:s20+s12], $0x1000, s13, s12, $0x38;
	[tilespmem:$0x9580] =	vst v63  }
0x15: {  	_ =	swait.ge [sflag:s14], $0x1000  }
0x16: {  	[sflag:s14] =	ssyncset.done $0x0  }
0x17: {  	v40 =	vimm.s32 $0x0;
	[sflag:s14] =	ssyncadd.s32 $0xFFFFF000  }
0x18: {  	[tilespmem:$0x1000] =	vst v40  }
0x19: {  	[tilespmem:$0x1010] =	vst v40  }
0x1a: {  	[tilespmem:$0x1020] =	vst v40  }
0x1b: {  	[tilespmem:$0x1080] =	vst v0  }
0x1c: {  	[tilespmem:$0x1090] =	vst v0  }
0x1d: {  	[tilespmem:$0x10A0] =	vst v0  }
0x1e: {  	[tilespmem:$0x10B0] =	vst v0  }
0x1f: {  	[tilespmem:$0x10C0] =	vst v0  }
0x20: {  	v39 =	vld [tilespmem:s19+$0x0]  }
0x21: {  	s21 =	simm.s32 $0x0;
	s20 =	simm.s32 $0x10  }
.LBB2_3:
0x22: {  	p0 =	sne.s32 s20, $0xFF0;
	_ =	sdelay $0x2  }
0x23: {  	vm1 =	vlt.f32 v39, $0.0e+00;
	vm2 =	vgt.f32 v39, $0.0e+00  }
0x24: {  	vm1 =	vmor vm2, vm1  }
0x25: {  	v41 =	vsel vm1, $0x1, v2  }
0x26: {  	(xrf0) =	vadd.scan.msk.s32 $0xffff, v41;
	_ =	sdelay $0x4  }
0x27: {  	vm2 =	vlt.s32 v40, $0x20  }
0x28: {  	v40 =	vnsel vm2, $0x20, v40;
	v41, _, _ =	vpop (xrf0)  }
0x29: {  	v40 =	vadd.s32 v40, v41  }
0x2a: {  	v41 =	vadd.s32 $0xFFFFFFFF, v40  }
0x2b: {  	v42 =	vadd.s32 $0xF, v40;
	v40 =	vperm.xlane v41, v3;
	_ =	sdelay $0x1  }
0x2c: {  	v40 =	vadd.s32 $0x1, v40  }
.Ltmp0:
0x2d: {  	v43 =	vor.u32 s19, v1;
	s19 =	smov.u32 s20;
	(pc) =	sbr.rel @p0 .LBB2_3-.Ltmp0, $4  }
0x2e: {  	[tilespmem:v41+s15+$0x0] =	vst.idx.msk vm1, v43  }
0x2f: {  	s21 =	sadd.s32 $0x10, s21;
	[tilespmem:v42+s16+$0x0] =	vst.idx.msk vm1, v39  }
0x30: {  	v39 =	vld [tilespmem:s21+$0x0]  }
0x31: {  	s20 =	sadd.s32 $0x10, s20  }
0x32: {  	_ =	sdelay $0x2  }
0x33: {  	vm1 =	vlt.f32 v39, $0.0e+00;
	vm2 =	vgt.f32 v39, $0.0e+00  }
0x34: {  	vm1 =	vmor vm2, vm1  }
0x35: {  	v41 =	vsel vm1, $0x1, v2  }
0x36: {  	(xrf0) =	vadd.scan.msk.s32 $0xffff, v41;
	_ =	sdelay $0x4  }
0x37: {  	vm2 =	vlt.s32 v40, $0x20  }
0x38: {  	v40 =	vnsel vm2, $0x20, v40;
	v41, _, _ =	vpop (xrf0)  }
0x39: {  	v40 =	vadd.s32 v40, v41  }
0x3a: {  	v41 =	vadd.s32 $0xFFFFFFFF, v40  }
0x3b: {  	v40 =	vadd.s32 $0xF, v40;
	_ =	sdelay $0x2  }
0x3c: {  	v42 =	vor.u32 s19, v1  }
0x3d: {  	[tilespmem:v41+s15+$0x0] =	vst.idx.msk vm1, v42  }
0x3e: {  	[tilespmem:v40+s16+$0x0] =	vst.idx.msk vm1, v39  }
0x3f: {  	v39 =	vld [tilespmem:$0x1000];
	_ =	sdelay $0x4  }
0x40: {  	v51 =	vshll.u32 v39, $0x3  }
0x41: {  	v52 =	vand.u32 $0x7, v39;
	v40 =	vand.u32 $0xFFFFFFC0, v51  }
0x42: {  	v40 =	vor.u32 v52, v40  }
0x43: {  	v41 =	vperm.xlane v40, v4  }
0x44: {  	v42 =	vld [tilespmem:$0x1010]  }
0x45: {  	v41 =	vadd.s32 v5, v41;
	_ =	sdelay $0x2  }
0x46: {  	[tilespmem:$0x1100] =	vst v39  }
0x47: {  	s19 =	simm.s32 $0x0;
	s20 =	simm.s32 $0x1180;
	[tilespmem:$0x1110] =	vst v42  }
0x48: {  	[tilespmem:s20], [sflag:$0x1] =	stream.indirect_vreg.gather [hbm4b:s1+s19], $0x80, v41, vm0, $0xb8;
	[tilespmem:$0x9580] =	vst v63  }
0x49: {  	s23 =	simm.s32 $0x1980;
	v53 =	vperm.xlane v40, v6  }
0x4a: {  	[tilespmem:s23], [sflag:$0x1] =	stream.indirect_vreg.gather [hbm4b:s7+s19], $0x80, v41, vm0, $0xb8;
	[tilespmem:$0x9580] =	vst v63  }
0x4b: {  	s21 =	simm.s32 $0x2180;
	v39 =	vadd.s32 v5, v53  }
0x4c: {  	[tilespmem:s21], [sflag:$0x1] =	stream.indirect_vreg.gather [hbm4b:s8+s19], $0x80, v41, vm0, $0xb8;
	[tilespmem:$0x9580] =	vst v63  }
0x4d: {  	s22 =	simm.s32 $0x2980  }
0x4e: {  	[tilespmem:s22], [sflag:$0x1] =	stream.indirect_vreg.gather [hbm4b:s9+s19], $0x80, v41, vm0, $0xb8;
	[tilespmem:$0x9580] =	vst v63  }
0x4f: {  	s23 =	simm.s32 $0x3180  }
0x50: {  	[tilespmem:s23], [sflag:$0x1] =	stream.indirect_vreg.gather [hbm4b:s1+s19], $0x80, v39, vm0, $0xb8;
	[tilespmem:$0x9580] =	vst v63  }
0x51: {  	s21 =	simm.s32 $0x3980  }
0x52: {  	[tilespmem:s21], [sflag:$0x1] =	stream.indirect_vreg.gather [hbm4b:s7+s19], $0x80, v39, vm0, $0xb8;
	[tilespmem:$0x9580] =	vst v63  }
0x53: {  	s22 =	simm.s32 $0x4180  }
0x54: {  	[tilespmem:s22], [sflag:$0x1] =	stream.indirect_vreg.gather [hbm4b:s8+s19], $0x80, v39, vm0, $0xb8;
	[tilespmem:$0x9580] =	vst v63  }
0x55: {  	_ = 	snop  }
0x56: {  	[tilespmem:s24], [sflag:$0x1] =	stream.indirect_vreg.gather [hbm4b:s9+s19], $0x80, v39, vm0, $0xb8;
	[tilespmem:$0x9580] =	vst v63  }
0x57: {  	v39 =	vld [tilespmem:$0x1110];
	_ =	sdelay $0x4  }
0x58: {  	v54 =	vshll.u32 v39, $0x3  }
0x59: {  	v39 =	vand.u32 $0x7, v39;
	v40 =	vand.u32 $0xFFFFFFC0, v54  }
0x5a: {  	v39 =	vor.u32 v39, v40  }
0x5b: {  	v40 =	vperm.xlane v39, v4;
	_ =	sdelay $0x1  }
0x5c: {  	v40 =	vadd.s32 v5, v40;
	_ =	sdelay $0x4  }
0x5d: {  	[tilespmem:s25], [sflag:$0x1] =	stream.indirect_vreg.gather [hbm4b:s1+s19], $0x80, v40, vm0, $0xb8;
	[tilespmem:$0x9580] =	vst v63  }
0x5e: {  	v39 =	vperm.xlane v39, v6  }
0x5f: {  	[tilespmem:s26], [sflag:$0x1] =	stream.indirect_vreg.gather [hbm4b:s7+s19], $0x80, v40, vm0, $0xb8;
	[tilespmem:$0x9580] =	vst v63  }
0x60: {  	v39 =	vadd.s32 v5, v39  }
0x61: {  	[tilespmem:s28], [sflag:$0x1] =	stream.indirect_vreg.gather [hbm4b:s8+s19], $0x80, v40, vm0, $0xb8;
	[tilespmem:$0x9580] =	vst v63  }
0x62: {  	_ = 	snop  }
0x63: {  	[tilespmem:s29], [sflag:$0x1] =	stream.indirect_vreg.gather [hbm4b:s9+s19], $0x80, v40, vm0, $0xb8;
	[tilespmem:$0x9580] =	vst v63  }
0x64: {  	_ = 	snop  }
0x65: {  	[tilespmem:s30], [sflag:$0x1] =	stream.indirect_vreg.gather [hbm4b:s1+s19], $0x80, v39, vm0, $0xb8;
	[tilespmem:$0x9580] =	vst v63  }
0x66: {  	_ = 	snop  }
0x67: {  	[tilespmem:s31], [sflag:$0x1] =	stream.indirect_vreg.gather [hbm4b:s7+s19], $0x80, v39, vm0, $0xb8;
	[tilespmem:$0x9580] =	vst v63  }
0x68: {  	_ = 	snop  }
0x69: {  	[tilespmem:s0], [sflag:$0x1] =	stream.indirect_vreg.gather [hbm4b:s8+s19], $0x80, v39, vm0, $0xb8;
	[tilespmem:$0x9580] =	vst v63  }
0x6a: {  	_ = 	snop  }
0x6b: {  	[tilespmem:s3], [sflag:$0x1] =	stream.indirect_vreg.gather [hbm4b:s9+s19], $0x80, v39, vm0, $0xb8;
	[tilespmem:$0x9580] =	vst v63  }
0x6c: {  	_ =	swait.ge [sflag:s11], $0x8000  }
0x6d: {  	[sflag:s11] =	ssyncset.done $0x0  }
0x6e: {  	s23 =	sand.u32 $0x70, s19;
	s19 =	sand.u32 $0x1C00, s19;
	[sflag:s11] =	ssyncadd.s32 $0xFFFF8000  }
0x6f: {  	s19 =	sor.u32 s23, s19;
	v55 =	vld.idx.msk [tilespmem:v7+s16+$0x0], $0xffff  }
0x70: {  	v56 =	vld [tilespmem:s19+$0x1180]  }
0x71: {  	v57 =	vld.idx.msk [tilespmem:v8+s16+$0x0], $0xffff  }
0x72: {  	v58 =	vld [tilespmem:s19+$0x5180]  }
0x73: {  	v43 =	vld.idx.msk [tilespmem:v9+s16+$0x0], $0xffff  }
0x74: {  	v44 =	vld [tilespmem:s19+$0x1200]  }
0x75: {  	v59 =	vld.idx.msk [tilespmem:v10+s16+$0x0], $0xffff;
	v39 =	vmul.f32 v56, v55  }
0x76: {  	v45 =	vld [tilespmem:s19+$0x5200]  }
0x77: {  	v60 =	vld.idx.msk [tilespmem:v11+s16+$0x0], $0xffff;
	v41 =	vmul.f32 v58, v57;
	v39 =	vadd.f32 $0.0e+00, v39  }
0x78: {  	v46 =	vld [tilespmem:s19+$0x1280]  }
0x79: {  	v62 =	vld.idx.msk [tilespmem:v12+s16+$0x0], $0xffff;
	v61 =	vmul.f32 v44, v43;
	v39 =	vadd.f32 v41, v39  }
0x7a: {  	v63 =	vld [tilespmem:s19+$0x5280]  }
0x7b: {  	v48 =	vld.idx.msk [tilespmem:v13+s16+$0x0], $0xffff;
	v40 =	vmul.f32 v45, v59;
	v39 =	vadd.f32 v61, v39  }
0x7c: {  	v49 =	vld [tilespmem:s19+$0x1300]  }
0x7d: {  	v51 =	vld.idx.msk [tilespmem:v14+s16+$0x0], $0xffff;
	v50 =	vmul.f32 v46, v60;
	v39 =	vadd.f32 v40, v39  }
0x7e: {  	v52 =	vld [tilespmem:s19+$0x5300]  }
0x7f: {  	v54 =	vld.idx.msk [tilespmem:v15+s16+$0x0], $0xffff;
	v53 =	vmul.f32 v63, v62;
	v39 =	vadd.f32 v50, v39  }
0x80: {  	v55 =	vld [tilespmem:s19+$0x1380]  }
0x81: {  	v56 =	vmul.f32 v49, v48;
	v57 =	vld.idx.msk [tilespmem:v16+s16+$0x0], $0xffff;
	v39 =	vadd.f32 v53, v39  }
0x82: {  	v58 =	vld [tilespmem:s19+$0x5380]  }
0x83: {  	v59 =	vmul.f32 v52, v51;
	v60 =	vld.idx.msk [tilespmem:v17+s16+$0x0], $0xffff;
	v39 =	vadd.f32 v56, v39  }
0x84: {  	v61 =	vld [tilespmem:s19+$0x1400]  }
0x85: {  	v63 =	vld.idx.msk [tilespmem:v18+s16+$0x0], $0xffff;
	v62 =	vmul.f32 v55, v54;
	v39 =	vadd.f32 v59, v39  }
0x86: {  	v48 =	vld [tilespmem:s19+$0x5400]  }
0x87: {  	v51 =	vld [tilespmem:s19+$0x1480];
	v49 =	vmul.f32 v58, v57;
	v39 =	vadd.f32 v62, v39  }
0x88: {  	v50 =	vld.idx.msk [tilespmem:v19+s16+$0x0], $0xffff  }
0x89: {  	v54 =	vld [tilespmem:s19+$0x5480];
	v52 =	vmul.f32 v61, v60;
	v39 =	vadd.f32 v49, v39  }
0x8a: {  	v53 =	vld.idx.msk [tilespmem:v20+s16+$0x0], $0xffff  }
0x8b: {  	v55 =	vmul.f32 v48, v63;
	v57 =	vld [tilespmem:s19+$0x1500];
	v39 =	vadd.f32 v52, v39  }
0x8c: {  	v56 =	vld.idx.msk [tilespmem:v21+s16+$0x0], $0xffff  }
0x8d: {  	v60 =	vld [tilespmem:s19+$0x5500];
	v58 =	vmul.f32 v51, v50;
	v39 =	vadd.f32 v55, v39  }
0x8e: {  	v59 =	vld.idx.msk [tilespmem:v22+s16+$0x0], $0xffff  }
0x8f: {  	v63 =	vld [tilespmem:s19+$0x3180];
	v61 =	vmul.f32 v54, v53;
	v39 =	vadd.f32 v58, v39  }
0x90: {  	v62 =	vld.idx.msk [tilespmem:v23+s16+$0x0], $0xffff  }
0x91: {  	v50 =	vld [tilespmem:s19+$0x7180];
	v48 =	vmul.f32 v57, v56;
	v39 =	vadd.f32 v61, v39  }
0x92: {  	v49 =	vld.idx.msk [tilespmem:v24+s16+$0x0], $0xffff  }
0x93: {  	v53 =	vld [tilespmem:s19+$0x3200];
	v51 =	vmul.f32 v60, v59;
	v39 =	vadd.f32 v48, v39  }
0x94: {  	v52 =	vld.idx.msk [tilespmem:v25+s16+$0x0], $0xffff  }
0x95: {  	v56 =	vld [tilespmem:s19+$0x7200];
	v54 =	vmul.f32 v63, v62;
	v39 =	vadd.f32 v51, v39  }
0x96: {  	v55 =	vld.idx.msk [tilespmem:v26+s16+$0x0], $0xffff  }
0x97: {  	v59 =	vld [tilespmem:s19+$0x3280];
	v57 =	vmul.f32 v50, v49;
	v39 =	vadd.f32 v54, v39  }
0x98: {  	v58 =	vld.idx.msk [tilespmem:v27+s16+$0x0], $0xffff  }
0x99: {  	v62 =	vld [tilespmem:s19+$0x7280];
	v60 =	vmul.f32 v53, v52;
	v39 =	vadd.f32 v57, v39  }
0x9a: {  	v61 =	vld.idx.msk [tilespmem:v28+s16+$0x0], $0xffff  }
0x9b: {  	v49 =	vld [tilespmem:s19+$0x3300];
	v63 =	vmul.f32 v56, v55;
	v39 =	vadd.f32 v60, v39  }
0x9c: {  	v48 =	vld.idx.msk [tilespmem:v29+s16+$0x0], $0xffff  }
0x9d: {  	v52 =	vld [tilespmem:s19+$0x7300];
	v50 =	vmul.f32 v59, v58;
	v39 =	vadd.f32 v63, v39  }
0x9e: {  	v51 =	vld.idx.msk [tilespmem:v30+s16+$0x0], $0xffff  }
0x9f: {  	v55 =	vld [tilespmem:s19+$0x3380];
	v53 =	vmul.f32 v62, v61;
	v39 =	vadd.f32 v50, v39  }
0xa0: {  	v54 =	vld.idx.msk [tilespmem:v31+s16+$0x0], $0xffff  }
0xa1: {  	v58 =	vld [tilespmem:s19+$0x7380];
	v56 =	vmul.f32 v49, v48;
	v39 =	vadd.f32 v53, v39  }
0xa2: {  	v57 =	vld.idx.msk [tilespmem:v32+s16+$0x0], $0xffff  }
0xa3: {  	v61 =	vld [tilespmem:s19+$0x3400];
	v59 =	vmul.f32 v52, v51;
	v39 =	vadd.f32 v56, v39  }
0xa4: {  	v60 =	vld.idx.msk [tilespmem:v33+s16+$0x0], $0xffff  }
0xa5: {  	v48 =	vld [tilespmem:s19+$0x7400];
	v62 =	vmul.f32 v55, v54;
	v39 =	vadd.f32 v59, v39  }
0xa6: {  	v63 =	vld.idx.msk [tilespmem:v34+s16+$0x0], $0xffff  }
0xa7: {  	v51 =	vld [tilespmem:s19+$0x3480];
	v49 =	vmul.f32 v58, v57;
	v39 =	vadd.f32 v62, v39  }
0xa8: {  	v50 =	vld.idx.msk [tilespmem:v35+s16+$0x0], $0xffff  }
0xa9: {  	v54 =	vld [tilespmem:s19+$0x7480];
	v52 =	vmul.f32 v61, v60;
	v39 =	vadd.f32 v49, v39  }
0xaa: {  	v53 =	vld.idx.msk [tilespmem:v36+s16+$0x0], $0xffff  }
0xab: {  	v57 =	vld [tilespmem:s19+$0x3500];
	v55 =	vmul.f32 v48, v63;
	v39 =	vadd.f32 v52, v39  }
0xac: {  	v56 =	vld.idx.msk [tilespmem:v37+s16+$0x0], $0xffff  }
0xad: {  	v60 =	vld [tilespmem:s19+$0x7500];
	v58 =	vmul.f32 v51, v50;
	v39 =	vadd.f32 v55, v39  }
0xae: {  	v59 =	vld.idx.msk [tilespmem:v38+s16+$0x0], $0xffff  }
0xaf: {  	v61 =	vmul.f32 v54, v53;
	v39 =	vadd.f32 v58, v39;
	_ =	sdelay $0x1  }
0xb0: {  	v62 =	vmul.f32 v57, v56;
	v39 =	vadd.f32 v61, v39;
	_ =	sdelay $0x1  }
0xb1: {  	v63 =	vmul.f32 v60, v59;
	v39 =	vadd.f32 v62, v39;
	_ =	sdelay $0x1  }
0xb2: {  	v39 =	vadd.f32 v63, v39  }
0xb3: {  	s20 =	simm.s32 $0x80;
	s21 =	simm.s32 $0x10;
	s19 =	simm.s32 $0x9180  }
0xb4: {  	s22 =	sand.u32 $0x70, s21;
	s21 =	simm.s32 $0x20;
	s23 =	sand.u32 $0x1C00, s20;
	[tilespmem:s19+$0x0] =	vst v39  }
.LBB2_5:
0xb5: {  	p0 =	sne.s32 s21, $0x3F0;
	v39 =	vld.idx.msk [tilespmem:v7+s16+$0x0], $0xffff;
	s22 =	sor.u32 s22, s23  }
0xb6: {  	v40 =	vld [tilespmem:s22+$0x1180]  }
0xb7: {  	v41 =	vld.idx.msk [tilespmem:v8+s16+$0x0], $0xffff  }
0xb8: {  	v42 =	vld [tilespmem:s22+$0x5180]  }
0xb9: {  	v43 =	vld.idx.msk [tilespmem:v9+s16+$0x0], $0xffff  }
0xba: {  	v44 =	vld [tilespmem:s22+$0x1200]  }
0xbb: {  	v39 =	vmul.f32 v40, v39;
	v40 =	vld.idx.msk [tilespmem:v10+s16+$0x0], $0xffff  }
0xbc: {  	v45 =	vld [tilespmem:s22+$0x5200]  }
0xbd: {  	v39 =	vadd.f32 $0.0e+00, v39;
	v41 =	vmul.f32 v42, v41;
	v42 =	vld.idx.msk [tilespmem:v11+s16+$0x0], $0xffff  }
0xbe: {  	v46 =	vld [tilespmem:s22+$0x1280]  }
0xbf: {  	v39 =	vadd.f32 v41, v39;
	v41 =	vmul.f32 v44, v43;
	v43 =	vld.idx.msk [tilespmem:v12+s16+$0x0], $0xffff  }
0xc0: {  	v44 =	vld [tilespmem:s22+$0x5280]  }
0xc1: {  	v39 =	vadd.f32 v41, v39;
	v40 =	vmul.f32 v45, v40;
	v41 =	vld.idx.msk [tilespmem:v13+s16+$0x0], $0xffff  }
0xc2: {  	v45 =	vld [tilespmem:s22+$0x1300]  }
0xc3: {  	v39 =	vadd.f32 v40, v39;
	v40 =	vmul.f32 v46, v42;
	v42 =	vld.idx.msk [tilespmem:v14+s16+$0x0], $0xffff  }
0xc4: {  	v46 =	vld [tilespmem:s22+$0x5300]  }
0xc5: {  	v39 =	vadd.f32 v40, v39;
	v40 =	vmul.f32 v44, v43;
	v43 =	vld.idx.msk [tilespmem:v15+s16+$0x0], $0xffff  }
0xc6: {  	v44 =	vld [tilespmem:s22+$0x1380]  }
0xc7: {  	v39 =	vadd.f32 v40, v39;
	v40 =	vmul.f32 v45, v41;
	v41 =	vld.idx.msk [tilespmem:v16+s16+$0x0], $0xffff  }
0xc8: {  	v45 =	vld [tilespmem:s22+$0x5380]  }
0xc9: {  	v39 =	vadd.f32 v40, v39;
	v40 =	vmul.f32 v46, v42;
	v42 =	vld.idx.msk [tilespmem:v17+s16+$0x0], $0xffff  }
0xca: {  	v46 =	vld [tilespmem:s22+$0x1400]  }
0xcb: {  	v39 =	vadd.f32 v40, v39;
	v40 =	vmul.f32 v44, v43;
	v43 =	vld.idx.msk [tilespmem:v18+s16+$0x0], $0xffff  }
0xcc: {  	v44 =	vld [tilespmem:s22+$0x5400]  }
0xcd: {  	v39 =	vadd.f32 v40, v39;
	v40 =	vmul.f32 v45, v41;
	v41 =	vld.idx.msk [tilespmem:v19+s16+$0x0], $0xffff  }
0xce: {  	v45 =	vld [tilespmem:s22+$0x1480]  }
0xcf: {  	v39 =	vadd.f32 v40, v39;
	v40 =	vmul.f32 v46, v42;
	v42 =	vld.idx.msk [tilespmem:v20+s16+$0x0], $0xffff  }
0xd0: {  	v46 =	vld [tilespmem:s22+$0x5480]  }
0xd1: {  	v39 =	vadd.f32 v40, v39;
	v40 =	vmul.f32 v44, v43;
	v43 =	vld.idx.msk [tilespmem:v21+s16+$0x0], $0xffff  }
0xd2: {  	v44 =	vld [tilespmem:s22+$0x1500]  }
0xd3: {  	v39 =	vadd.f32 v40, v39;
	v40 =	vmul.f32 v45, v41;
	v41 =	vld.idx.msk [tilespmem:v22+s16+$0x0], $0xffff  }
0xd4: {  	v45 =	vld [tilespmem:s22+$0x5500]  }
0xd5: {  	v39 =	vadd.f32 v40, v39;
	v40 =	vmul.f32 v46, v42;
	v42 =	vld.idx.msk [tilespmem:v23+s16+$0x0], $0xffff  }
0xd6: {  	v46 =	vld [tilespmem:s22+$0x3180]  }
0xd7: {  	v39 =	vadd.f32 v40, v39;
	v40 =	vmul.f32 v44, v43;
	v43 =	vld.idx.msk [tilespmem:v24+s16+$0x0], $0xffff  }
0xd8: {  	v44 =	vld [tilespmem:s22+$0x7180]  }
0xd9: {  	v39 =	vadd.f32 v40, v39;
	v40 =	vmul.f32 v45, v41;
	v41 =	vld.idx.msk [tilespmem:v25+s16+$0x0], $0xffff  }
0xda: {  	v45 =	vld [tilespmem:s22+$0x3200]  }
0xdb: {  	v39 =	vadd.f32 v40, v39;
	v40 =	vmul.f32 v46, v42;
	v42 =	vld.idx.msk [tilespmem:v26+s16+$0x0], $0xffff  }
0xdc: {  	v46 =	vld [tilespmem:s22+$0x7200]  }
0xdd: {  	v39 =	vadd.f32 v40, v39;
	v40 =	vmul.f32 v44, v43;
	v43 =	vld.idx.msk [tilespmem:v27+s16+$0x0], $0xffff  }
0xde: {  	v44 =	vld [tilespmem:s22+$0x3280]  }
0xdf: {  	v39 =	vadd.f32 v40, v39;
	v40 =	vmul.f32 v45, v41;
	v41 =	vld.idx.msk [tilespmem:v28+s16+$0x0], $0xffff  }
0xe0: {  	v45 =	vld [tilespmem:s22+$0x7280]  }
0xe1: {  	v39 =	vadd.f32 v40, v39;
	v40 =	vmul.f32 v46, v42;
	v42 =	vld.idx.msk [tilespmem:v29+s16+$0x0], $0xffff  }
0xe2: {  	v46 =	vld [tilespmem:s22+$0x3300]  }
0xe3: {  	v39 =	vadd.f32 v40, v39;
	v40 =	vmul.f32 v44, v43;
	v43 =	vld.idx.msk [tilespmem:v30+s16+$0x0], $0xffff  }
0xe4: {  	v44 =	vld [tilespmem:s22+$0x7300]  }
0xe5: {  	v39 =	vadd.f32 v40, v39;
	v40 =	vmul.f32 v45, v41;
	v41 =	vld.idx.msk [tilespmem:v31+s16+$0x0], $0xffff  }
0xe6: {  	v45 =	vld [tilespmem:s22+$0x3380]  }
0xe7: {  	v39 =	vadd.f32 v40, v39;
	v40 =	vmul.f32 v46, v42;
	v42 =	vld.idx.msk [tilespmem:v32+s16+$0x0], $0xffff  }
0xe8: {  	v46 =	vld [tilespmem:s22+$0x7380]  }
0xe9: {  	v39 =	vadd.f32 v40, v39;
	v40 =	vmul.f32 v44, v43;
	v43 =	vld.idx.msk [tilespmem:v33+s16+$0x0], $0xffff  }
0xea: {  	v44 =	vld [tilespmem:s22+$0x3400]  }
0xeb: {  	v39 =	vadd.f32 v40, v39;
	v40 =	vmul.f32 v45, v41;
	v41 =	vld.idx.msk [tilespmem:v34+s16+$0x0], $0xffff  }
0xec: {  	v45 =	vld [tilespmem:s22+$0x7400]  }
0xed: {  	v39 =	vadd.f32 v40, v39;
	v40 =	vmul.f32 v46, v42;
	v42 =	vld.idx.msk [tilespmem:v35+s16+$0x0], $0xffff  }
0xee: {  	v46 =	vld [tilespmem:s22+$0x3480]  }
0xef: {  	v39 =	vadd.f32 v40, v39;
	v40 =	vmul.f32 v44, v43;
	v43 =	vld.idx.msk [tilespmem:v36+s16+$0x0], $0xffff  }
0xf0: {  	v44 =	vld [tilespmem:s22+$0x7480]  }
0xf1: {  	v39 =	vadd.f32 v40, v39;
	v40 =	vmul.f32 v45, v41;
	v41 =	vld.idx.msk [tilespmem:v37+s16+$0x0], $0xffff  }
0xf2: {  	v45 =	vld [tilespmem:s22+$0x3500]  }
0xf3: {  	v39 =	vadd.f32 v40, v39;
	v40 =	vmul.f32 v46, v42;
	v42 =	vld.idx.msk [tilespmem:v38+s16+$0x0], $0xffff  }
0xf4: {  	v46 =	vld [tilespmem:s22+$0x7500]  }
0xf5: {  	v39 =	vadd.f32 v40, v39;
	v40 =	vmul.f32 v44, v43;
	_ =	sdelay $0x1  }
0xf6: {  	v39 =	vadd.f32 v40, v39;
	v40 =	vmul.f32 v45, v41;
	_ =	sdelay $0x1  }
.Ltmp1:
0xf7: {  	v39 =	vadd.f32 v40, v39;
	v40 =	vmul.f32 v46, v42;
	(pc) =	sbr.rel @p0 .LBB2_5-.Ltmp1, $4  }
0xf8: {  	_ = 	snop  }
0xf9: {  	v39 =	vadd.f32 v40, v39  }
0xfa: {  	s20 =	sadd.s32 $0x80, s20;
	s19 =	sadd.s32 $0x10, s19  }
0xfb: {  	s23 =	sand.u32 $0x1C00, s20;
	s22 =	sand.u32 $0x70, s21;
	s21 =	sadd.s32 $0x10, s21;
	[tilespmem:s19+$0x0] =	vst v39  }
0xfc: {  	_ =	sdelay $0x3  }
0xfd: {  	v39 =	vld.idx.msk [tilespmem:v7+s16+$0x0], $0xffff;
	s20 =	sor.u32 s22, s23  }
0xfe: {  	v40 =	vld [tilespmem:s20+$0x1180]  }
0xff: {  	v41 =	vld.idx.msk [tilespmem:v8+s16+$0x0], $0xffff  }
0x100: {  	v42 =	vld [tilespmem:s20+$0x5180]  }
0x101: {  	v43 =	vld.idx.msk [tilespmem:v9+s16+$0x0], $0xffff  }
0x102: {  	v44 =	vld [tilespmem:s20+$0x1200]  }
0x103: {  	v59 =	vld.idx.msk [tilespmem:v10+s16+$0x0], $0xffff;
	v39 =	vmul.f32 v40, v39  }
0x104: {  	v45 =	vld [tilespmem:s20+$0x5200]  }
0x105: {  	v60 =	vld.idx.msk [tilespmem:v11+s16+$0x0], $0xffff;
	v41 =	vmul.f32 v42, v41;
	v39 =	vadd.f32 $0.0e+00, v39  }
0x106: {  	v46 =	vld [tilespmem:s20+$0x1280]  }
0x107: {  	v62 =	vld.idx.msk [tilespmem:v12+s16+$0x0], $0xffff;
	v61 =	vmul.f32 v44, v43;
	v39 =	vadd.f32 v41, v39  }
0x108: {  	v63 =	vld [tilespmem:s20+$0x5280]  }
0x109: {  	v48 =	vld.idx.msk [tilespmem:v13+s16+$0x0], $0xffff;
	v40 =	vmul.f32 v45, v59;
	v39 =	vadd.f32 v61, v39  }
0x10a: {  	v49 =	vld [tilespmem:s20+$0x1300]  }
0x10b: {  	v51 =	vld.idx.msk [tilespmem:v14+s16+$0x0], $0xffff;
	v50 =	vmul.f32 v46, v60;
	v39 =	vadd.f32 v40, v39  }
0x10c: {  	v52 =	vld [tilespmem:s20+$0x5300]  }
0x10d: {  	v54 =	vld.idx.msk [tilespmem:v15+s16+$0x0], $0xffff;
	v53 =	vmul.f32 v63, v62;
	v39 =	vadd.f32 v50, v39  }
0x10e: {  	v55 =	vld [tilespmem:s20+$0x1380]  }
0x10f: {  	v57 =	vld.idx.msk [tilespmem:v16+s16+$0x0], $0xffff;
	v56 =	vmul.f32 v49, v48;
	v39 =	vadd.f32 v53, v39  }
0x110: {  	v58 =	vld [tilespmem:s20+$0x5380]  }
0x111: {  	v59 =	vmul.f32 v52, v51;
	v60 =	vld.idx.msk [tilespmem:v17+s16+$0x0], $0xffff;
	v39 =	vadd.f32 v56, v39  }
0x112: {  	v61 =	vld [tilespmem:s20+$0x1400]  }
0x113: {  	v62 =	vmul.f32 v55, v54;
	v63 =	vld.idx.msk [tilespmem:v18+s16+$0x0], $0xffff;
	v39 =	vadd.f32 v59, v39  }
0x114: {  	v48 =	vld [tilespmem:s20+$0x5400]  }
0x115: {  	v49 =	vmul.f32 v58, v57;
	v51 =	vld [tilespmem:s20+$0x1480];
	v39 =	vadd.f32 v62, v39  }
0x116: {  	v50 =	vld.idx.msk [tilespmem:v19+s16+$0x0], $0xffff  }
0x117: {  	v54 =	vld [tilespmem:s20+$0x5480];
	v52 =	vmul.f32 v61, v60;
	v39 =	vadd.f32 v49, v39  }
0x118: {  	v53 =	vld.idx.msk [tilespmem:v20+s16+$0x0], $0xffff  }
0x119: {  	v57 =	vld [tilespmem:s20+$0x1500];
	v55 =	vmul.f32 v48, v63;
	v39 =	vadd.f32 v52, v39  }
0x11a: {  	v56 =	vld.idx.msk [tilespmem:v21+s16+$0x0], $0xffff  }
0x11b: {  	v60 =	vld [tilespmem:s20+$0x5500];
	v58 =	vmul.f32 v51, v50;
	v39 =	vadd.f32 v55, v39  }
0x11c: {  	v59 =	vld.idx.msk [tilespmem:v22+s16+$0x0], $0xffff  }
0x11d: {  	v63 =	vld [tilespmem:s20+$0x3180];
	v61 =	vmul.f32 v54, v53;
	v39 =	vadd.f32 v58, v39  }
0x11e: {  	v62 =	vld.idx.msk [tilespmem:v23+s16+$0x0], $0xffff  }
0x11f: {  	v50 =	vld [tilespmem:s20+$0x7180];
	v48 =	vmul.f32 v57, v56;
	v39 =	vadd.f32 v61, v39  }
0x120: {  	v49 =	vld.idx.msk [tilespmem:v24+s16+$0x0], $0xffff  }
0x121: {  	v53 =	vld [tilespmem:s20+$0x3200];
	v51 =	vmul.f32 v60, v59;
	v39 =	vadd.f32 v48, v39  }
0x122: {  	v52 =	vld.idx.msk [tilespmem:v25+s16+$0x0], $0xffff  }
0x123: {  	v56 =	vld [tilespmem:s20+$0x7200];
	v54 =	vmul.f32 v63, v62;
	v39 =	vadd.f32 v51, v39  }
0x124: {  	v55 =	vld.idx.msk [tilespmem:v26+s16+$0x0], $0xffff  }
0x125: {  	v59 =	vld [tilespmem:s20+$0x3280];
	v57 =	vmul.f32 v50, v49;
	v39 =	vadd.f32 v54, v39  }
0x126: {  	v58 =	vld.idx.msk [tilespmem:v27+s16+$0x0], $0xffff  }
0x127: {  	v62 =	vld [tilespmem:s20+$0x7280];
	v60 =	vmul.f32 v53, v52;
	v39 =	vadd.f32 v57, v39  }
0x128: {  	v61 =	vld.idx.msk [tilespmem:v28+s16+$0x0], $0xffff  }
0x129: {  	v49 =	vld [tilespmem:s20+$0x3300];
	v63 =	vmul.f32 v56, v55;
	v39 =	vadd.f32 v60, v39  }
0x12a: {  	v48 =	vld.idx.msk [tilespmem:v29+s16+$0x0], $0xffff  }
0x12b: {  	v52 =	vld [tilespmem:s20+$0x7300];
	v50 =	vmul.f32 v59, v58;
	v39 =	vadd.f32 v63, v39  }
0x12c: {  	v51 =	vld.idx.msk [tilespmem:v30+s16+$0x0], $0xffff  }
0x12d: {  	v55 =	vld [tilespmem:s20+$0x3380];
	v53 =	vmul.f32 v62, v61;
	v39 =	vadd.f32 v50, v39  }
0x12e: {  	v54 =	vld.idx.msk [tilespmem:v31+s16+$0x0], $0xffff  }
0x12f: {  	v58 =	vld [tilespmem:s20+$0x7380];
	v56 =	vmul.f32 v49, v48;
	v39 =	vadd.f32 v53, v39  }
0x130: {  	v57 =	vld.idx.msk [tilespmem:v32+s16+$0x0], $0xffff  }
0x131: {  	v61 =	vld [tilespmem:s20+$0x3400];
	v59 =	vmul.f32 v52, v51;
	v39 =	vadd.f32 v56, v39  }
0x132: {  	v60 =	vld.idx.msk [tilespmem:v33+s16+$0x0], $0xffff  }
0x133: {  	v48 =	vld [tilespmem:s20+$0x7400];
	v62 =	vmul.f32 v55, v54;
	v39 =	vadd.f32 v59, v39  }
0x134: {  	v63 =	vld.idx.msk [tilespmem:v34+s16+$0x0], $0xffff  }
0x135: {  	v51 =	vld [tilespmem:s20+$0x3480];
	v49 =	vmul.f32 v58, v57;
	v39 =	vadd.f32 v62, v39  }
0x136: {  	v50 =	vld.idx.msk [tilespmem:v35+s16+$0x0], $0xffff  }
0x137: {  	v54 =	vld [tilespmem:s20+$0x7480];
	v52 =	vmul.f32 v61, v60;
	v39 =	vadd.f32 v49, v39  }
0x138: {  	v53 =	vld.idx.msk [tilespmem:v36+s16+$0x0], $0xffff  }
0x139: {  	v57 =	vld [tilespmem:s20+$0x3500];
	v55 =	vmul.f32 v48, v63;
	v39 =	vadd.f32 v52, v39  }
0x13a: {  	v56 =	vld.idx.msk [tilespmem:v37+s16+$0x0], $0xffff  }
0x13b: {  	v60 =	vld [tilespmem:s20+$0x7500];
	v58 =	vmul.f32 v51, v50;
	v39 =	vadd.f32 v55, v39  }
0x13c: {  	v59 =	vld.idx.msk [tilespmem:v38+s16+$0x0], $0xffff  }
0x13d: {  	v61 =	vmul.f32 v54, v53;
	v39 =	vadd.f32 v58, v39;
	_ =	sdelay $0x1  }
0x13e: {  	v62 =	vmul.f32 v57, v56;
	v39 =	vadd.f32 v61, v39;
	_ =	sdelay $0x1  }
0x13f: {  	v63 =	vmul.f32 v60, v59;
	v39 =	vadd.f32 v62, v39;
	_ =	sdelay $0x1  }
0x140: {  	s18 =	sadd.s32 s10, s18;
	s17 =	sadd.s32 $0x1, s17;
	v39 =	vadd.f32 v63, v39  }
0x141: {  	s19 =	sadd.s32 $0x10, s19;
	s18 =	sshrl.u32 s18, $0x3;
	p0 =	sne.s32 s17, $0x8  }
.Ltmp2:
0x142: {  	s18 =	sadd.s32 s5, s18;
	[tilespmem:s19+$0x0] =	vst v39;
	(pc) =	sbr.rel @p0 .LBB2_2-.Ltmp2, $4  }
0x143: {  	[hbm4b:s18+s12] =	stream.strided.scatter [tilespmem:s2], [sflag:$0x2], $0x400, s13, s12, $0x38;
	[tilespmem:$0x9580] =	vst v63  }
0x144: {  	_ =	swait.ge [sflag:s14], $0x400  }
0x145: {  	[sflag:s14] =	ssyncset.done $0x0  }
0x146: {  	[sflag:s14] =	ssyncadd.s32 $0xFFFFFC00  }
0x147: {  	s17 =	rddreg [dreg:$0x3]  }
0x148: {  	s18 =	rddreg [dreg:$0x4];
	s17 =	sadd.s32 $0x1, s17  }
0x149: {  	p0 =	sne.s32 s17, s18  }
.Ltmp3:
0x14a: {  	_ = 	snop;
	(pc) =	sbr.rel @p0 .LBB2_1-.Ltmp3, $1  }
0x14b: {  	_ =	sdelay $0x3  }
0x14c: {  	_ =	sfence.sel $0x180000  }
0x14d: {  	[bflag:$0x0] =	sbarrier.arrive $0xFFFF  }
0x14e: {  	_ =	strace $0x90000047  }
0x14f: {  	s0 =	stileid.u32;
	[bflag:$0x2] =	sbarrier.arrive $0xFFFF  }
0x150: {  	p0 =	sne.s32 s0, $0x0;
	s0 =	rddreg [dreg:$0x2]  }
0x151: {  	s0 =	sadd.s32 @!p0 $0x100000, s0  }
0x152: {  	[sflag:s0] =	ssyncadd.tile.s32 @!p0 $0x1;
	_ =	shalt  }
.Lfunc_end2:
_tile_overlayer_lowered:
.L_overlay_start_2:
0x153: {  	(tag) =	ssettag $0x2  }
0x154: {  	s0 =	rddreg [dreg:$0x0];
	s2 =	stileid.u32  }
0x155: {  	s1 =	rddreg [dreg:$0x1];
	p0 =	sne.s32 s2, $0x0  }
0x156: {  	s3 =	rddreg [dreg:$0x2];
	[bflag:$0x3] =	sbarrier.arrive $0xFFFF;
	s2 =	simm.s32 @!p0 $0x1C02  }
0x157: {  	[timem:s3], [sflag:s2] =	dma.local @!p0 [hbm:s0], s1  }
0x158: {  	s0 =	simm.s32 @!p0 $0x2  }
0x159: {  	_ =	swait.ge @!p0 [sflag:s0], s1  }
0x15a: {  	s1 =	ssub.s32 @!p0 $0x0, s1;
	[sflag:s0] =	ssyncset.done @!p0 $0x0  }
0x15b: {  	[sflag:s0] =	ssyncadd.s32 @!p0 s1  }
0x15c: {  	[bflag:$0x3] =	sbarrier.arrive $0xFFFF  }
0x15d: {  	_ =	shalt  }

</sc_bundles>
